<compile_context>
chip_gen: v7x
topology: tpu7x:2x2x1
jax: 0.10.2.dev20260603
libtpu: 0.0.44.dev20260713+nightly
codegen_flags: <defaults>
</compile_context>

<pallas_src>
import functools

import jax
import jax.numpy as jnp
from jax import lax
from jax.experimental import pallas as pl
from jax.experimental.pallas import tpu as pltpu
from jax.experimental.pallas import tpu_sc as plsc

_NC = 2
_NS = 16
_NW = _NC * _NS

_B = 16384
_BPW = _B // _NW
_CH = 128
_NCH = _BPW // _CH

_TITLE_D = 128
_TOPIC_D = 64
_DIM = _TITLE_D + 2 * _TOPIC_D


def _sc_gather_title_body(t_idx, t_tab, out_t, idx_v, rows_t, gsem, wsem):
    wid = lax.axis_index("s") * _NC + lax.axis_index("c")
    base = wid * _BPW

    pltpu.sync_copy(t_idx.at[wid], idx_v)

    def fire(j, slot):
        return pltpu.async_copy(t_tab.at[idx_v.at[j]], rows_t.at[slot], gsem)

    def flush(j, slot):
        off = base + j * _CH
        return pltpu.async_copy(rows_t.at[slot], out_t.at[pl.ds(off, _CH)],
                                wsem)

    pend_g = fire(0, 0)
    pend_w = None
    for j in range(_NCH):
        nxt = None
        if j + 1 < _NCH:
            nxt = fire(j + 1, (j + 1) % 2)
        pend_g.wait()
        if pend_w is not None:
            pend_w.wait()
        pend_w = flush(j, j % 2)
        pend_g = nxt
    pend_w.wait()


def _sc_gather_title(t_idx, t_tab):
    f = pl.kernel(
        _sc_gather_title_body,
        out_type=jax.ShapeDtypeStruct((_B, _TITLE_D), jnp.float32),
        mesh=plsc.VectorSubcoreMesh(core_axis_name="c", subcore_axis_name="s",
                                    num_cores=_NC, num_subcores=_NS),
        scratch_types=[
            pltpu.VMEM((_NCH, _CH), jnp.int32),
            pltpu.VMEM((2, _CH, _TITLE_D), jnp.float32),
            pltpu.SemaphoreType.DMA,
            pltpu.SemaphoreType.DMA,
        ],
        compiler_params=pltpu.CompilerParams(use_tc_tiling_on_sc=False),
        name="news_encoder_sc_gather_title",
    )
    return f(t_idx, t_tab)


def _sc_gather64_body(tp_idx, s_idx, tp_tab, s_tab, out,
                      idx_v, rows_tp, rows_s, gsem, wsem):
    wid = lax.axis_index("s") * _NC + lax.axis_index("c")
    base = wid * _BPW

    pltpu.sync_copy(tp_idx.at[wid], idx_v.at[0])
    pltpu.sync_copy(s_idx.at[wid], idx_v.at[1])

    def fire(j, slot):
        a = pltpu.async_copy(tp_tab.at[idx_v.at[0, j]], rows_tp.at[slot], gsem)
        b = pltpu.async_copy(s_tab.at[idx_v.at[1, j]], rows_s.at[slot], gsem)
        return a, b

    def flush(j, slot):
        off = base + j * _CH
        rows = out.at[pl.ds(off, _CH)]
        a = pltpu.async_copy(rows_tp.at[slot], rows.at[:, pl.ds(0, _TOPIC_D)],
                             wsem)
        b = pltpu.async_copy(rows_s.at[slot],
                             rows.at[:, pl.ds(_TOPIC_D, _TOPIC_D)], wsem)
        return a, b

    pend_g = fire(0, 0)
    pend_w = None
    for j in range(_NCH):
        nxt = None
        if j + 1 < _NCH:
            nxt = fire(j + 1, (j + 1) % 2)
        for h in pend_g:
            h.wait()
        if pend_w is not None:
            for h in pend_w:
                h.wait()
        pend_w = flush(j, j % 2)
        pend_g = nxt
    for h in pend_w:
        h.wait()


def _sc_gather64(tp_idx, s_idx, tp_tab, s_tab):
    f = pl.kernel(
        _sc_gather64_body,
        out_type=jax.ShapeDtypeStruct((_B, 2 * _TOPIC_D), jnp.float32),
        mesh=plsc.VectorSubcoreMesh(core_axis_name="c", subcore_axis_name="s",
                                    num_cores=_NC, num_subcores=_NS),
        scratch_types=[
            pltpu.VMEM((2, _NCH, _CH), jnp.int32),
            pltpu.VMEM((2, _CH, _TOPIC_D), jnp.float32),
            pltpu.VMEM((2, _CH, _TOPIC_D), jnp.float32),
            pltpu.SemaphoreType.DMA,
            pltpu.SemaphoreType.DMA,
        ],
        compiler_params=pltpu.CompilerParams(use_tc_tiling_on_sc=False),
        name="news_encoder_sc_gather64",
    )
    return f(tp_idx, s_idx, tp_tab, s_tab)


_BM = 1024


def _mm_body(t_ref, ts_ref, w1_ref, w23_ref, b_ref, o_ref):
    dn = (((1,), (1,)), ((), ()))
    acc = lax.dot_general(t_ref[...], w1_ref[...], dn,
                          preferred_element_type=jnp.float32)
    acc = acc + lax.dot_general(ts_ref[...], w23_ref[...], dn,
                                preferred_element_type=jnp.float32)
    o_ref[...] = acc + b_ref[...]


def _tc_linear(title, topic_sub, W, b):
    w1 = W[:, :_TITLE_D]
    w23 = W[:, _TITLE_D:]
    return pl.pallas_call(
        _mm_body,
        grid=(_B // _BM,),
        in_specs=[
            pl.BlockSpec((_BM, _TITLE_D), lambda i: (i, 0)),
            pl.BlockSpec((_BM, 2 * _TOPIC_D), lambda i: (i, 0)),
            pl.BlockSpec((_DIM, _TITLE_D), lambda i: (0, 0)),
            pl.BlockSpec((_DIM, 2 * _TOPIC_D), lambda i: (0, 0)),
            pl.BlockSpec((1, _DIM), lambda i: (0, 0)),
        ],
        out_specs=pl.BlockSpec((_BM, _DIM), lambda i: (i, 0)),
        out_shape=jax.ShapeDtypeStruct((_B, _DIM), jnp.float32),
    )(title, topic_sub, w1, w23, b.reshape(1, _DIM))


def kernel(news_title, news_topic, news_subtopic, title_vectors, topic_table,
           subtopic_table, W, b):
    t_idx = news_title.astype(jnp.int32).reshape(_NW, _NCH, _CH)
    tp_idx = news_topic.astype(jnp.int32).reshape(_NW, _NCH, _CH)
    s_idx = news_subtopic.astype(jnp.int32).reshape(_NW, _NCH, _CH)
    topic_sub = _sc_gather64(tp_idx, s_idx, topic_table, subtopic_table)
    title = _sc_gather_title(t_idx, title_vectors)
    return _tc_linear(title, topic_sub, W, b)

# --- scband reference (transcript-rebuilt; emitter-appended) ---
"""Pipeline reference for scband-news-encoder-9766755631705 (READ-ONLY COPY).

The authoritative reference and input builder live on the scoring server;
editing this copy changes nothing except your own understanding.
"""

import jax, jax.numpy as jnp
import numpy as np

B = 16384
TITLE_VOCAB = 100000
TITLE_DIM = 128
TOPIC_SIZE = 1000
TOPIC_DIM = 64
SUBTOPIC_SIZE = 100000
SUBTOPIC_DIM = 64
DIM_NEWS = TITLE_DIM + TOPIC_DIM + SUBTOPIC_DIM


def setup_inputs(seed: int = 0) -> dict:
    key = jax.random.key(seed)
    ks = jax.random.split(key, 8)
    news_title = jax.random.randint(ks[0], (B,), 0, TITLE_VOCAB)
    news_topic = jax.random.randint(ks[1], (B,), 0, TOPIC_SIZE)
    news_subtopic = jax.random.randint(ks[2], (B,), 0, SUBTOPIC_SIZE)
    # frozen pretrained title vectors (nn.Embedding.from_pretrained, freeze=True)
    title_vectors = jax.random.normal(ks[3], (TITLE_VOCAB, TITLE_DIM), dtype=jnp.float32)
    # trainable topic / subtopic tables with padding_idx=0 (row 0 zeroed)
    topic_table = jax.random.normal(ks[4], (TOPIC_SIZE, TOPIC_DIM), dtype=jnp.float32)
    topic_table = topic_table.at[0].set(0.0)
    subtopic_table = jax.random.normal(ks[5], (SUBTOPIC_SIZE, SUBTOPIC_DIM), dtype=jnp.float32)
    subtopic_table = subtopic_table.at[0].set(0.0)
    # linear layer (dim_news -> dim_news)
    lim = 1.0 / np.sqrt(DIM_NEWS)
    W = jax.random.uniform(ks[6], (DIM_NEWS, DIM_NEWS), dtype=jnp.float32, minval=-lim, maxval=lim)
    b = jax.random.uniform(ks[7], (DIM_NEWS,), dtype=jnp.float32, minval=-lim, maxval=lim)
    return {
        "news_title": news_title,
        "news_topic": news_topic,
        "news_subtopic": news_subtopic,
        "title_vectors": title_vectors,
        "topic_table": topic_table,
        "subtopic_table": subtopic_table,
        "W": W,
        "b": b,
    }


def reference(news_title, news_topic, news_subtopic, title_vectors, topic_table, subtopic_table, W, b):
    # TitleEncoder: frozen embedding lookup
    title = jnp.take(title_vectors, news_title, axis=0)            # [B, 128]
    # TopicEncoder: two embedding lookups + hstack
    topic = jnp.take(topic_table, news_topic, axis=0)              # [B, 64]
    subtopic = jnp.take(subtopic_table, news_subtopic, axis=0)     # [B, 64]
    topic_cat = jnp.concatenate([topic, subtopic], axis=1)         # [B, 128]
    # cat title + topic features, then linear (dropout is defined but unused in forward)
    article = jnp.concatenate([title, topic_cat], axis=1)          # [B, 256]
    article = article @ W.T + b
    return article

if __name__ == "__main__":
    import jax
    _d = setup_inputs()
    print(jax.jit(kernel)(*tuple(_d.values())))

</pallas_src>

<mosaic_0001>
#map = affine_map<(d0, d1) -> (0, 0, 0)>
#map1 = affine_map<(d0, d1) -> (0, 0)>
module attributes {stable_mosaic.version = 14 : i64} {
  func.func @news_encoder_sc_gather_title(%arg0: i32, %arg1: i32, %arg2: memref<32x4x128xi32, #tpu.memory_space<hbm>>, %arg3: memref<100000x128xf32, #tpu.memory_space<hbm>>, %arg4: memref<16384x128xf32, #tpu.memory_space<hbm>>, %arg5: memref<4x128xi32, #tpu.memory_space<vmem>>, %arg6: memref<2x128x128xf32, #tpu.memory_space<vmem>>, %arg7: memref<!tpu.dma_semaphore, #tpu.memory_space<semaphore_mem>>, %arg8: memref<!tpu.dma_semaphore, #tpu.memory_space<semaphore_mem>>) attributes {dimension_semantics = [#tpu.dimension_semantics<core_parallel>, #tpu.dimension_semantics<subcore_parallel>], iteration_bounds = array<i64: 2, 16>, scalar_prefetch = 0 : i64, scratch_operands = 4 : i64, tpu.core_type = #tpu.core_type<sc_vector_subcore>, window_params = [{transform_indices = #map}, {transform_indices = #map1}, {transform_indices = #map1}]} {
    %mul3A = arith.constant 2 : i32
    %mul3A_0 = arith.muli %arg1, %mul3A : i32
    %add3A = arith.addi %mul3A_0, %arg0 : i32
    %mul3A_1 = arith.constant 512 : i32
    %mul3A_2 = arith.muli %add3A, %mul3A_1 : i32
    "tpu.region"() ({
      %run_scoped3A = tpu.sem_alloc : memref<!tpu.dma_semaphore, #tpu.memory_space<semaphore_mem>>
      %dma_start3A_209 = arith.constant 0 : i32
      %dma_start3A_210 = arith.constant 0 : i32
      %dma_start3A_211 = tpu.memref_slice %arg2[%add3A, %dma_start3A_209, %dma_start3A_210] : memref<32x4x128xi32, #tpu.memory_space<hbm>> -> memref<1x4x128xi32, #tpu.memory_space<hbm>>
      %dma_start3A_212 = tpu.memref_squeeze %dma_start3A_211 : memref<1x4x128xi32, #tpu.memory_space<hbm>> -> memref<4x128xi32, #tpu.memory_space<hbm>>
      %dma_start3A_213 = arith.constant 0 : i32
      %dma_start3A_214 = arith.constant 0 : i32
      %dma_start3A_215 = tpu.memref_slice %arg2[%add3A, %dma_start3A_213, %dma_start3A_214] : memref<32x4x128xi32, #tpu.memory_space<hbm>> -> memref<1x4x128xi32, #tpu.memory_space<hbm>>
      %dma_start3A_216 = tpu.memref_squeeze %dma_start3A_215 : memref<1x4x128xi32, #tpu.memory_space<hbm>> -> memref<4x128xi32, #tpu.memory_space<hbm>>
      tpu.enqueue_dma source(%dma_start3A_216 : memref<4x128xi32, #tpu.memory_space<hbm>>) target(%arg5 : memref<4x128xi32, #tpu.memory_space<vmem>>) target_semaphore(%run_scoped3A : memref<!tpu.dma_semaphore, #tpu.memory_space<semaphore_mem>>)
      %dma_wait3A_217 = arith.constant 0 : i32
      %dma_wait3A_218 = arith.constant 0 : i32
      %dma_wait3A_219 = tpu.memref_slice %arg2[%add3A, %dma_wait3A_217, %dma_wait3A_218] : memref<32x4x128xi32, #tpu.memory_space<hbm>> -> memref<1x4x128xi32, #tpu.memory_space<hbm>>
      %dma_wait3A_220 = tpu.memref_squeeze %dma_wait3A_219 : memref<1x4x128xi32, #tpu.memory_space<hbm>> -> memref<4x128xi32, #tpu.memory_space<hbm>>
      %dma_wait3A_221 = arith.constant 0 : i32
      %dma_wait3A_222 = arith.constant 0 : i32
      %dma_wait3A_223 = tpu.memref_slice %arg2[%add3A, %dma_wait3A_221, %dma_wait3A_222] : memref<32x4x128xi32, #tpu.memory_space<hbm>> -> memref<1x4x128xi32, #tpu.memory_space<hbm>>
      %dma_wait3A_224 = tpu.memref_squeeze %dma_wait3A_223 : memref<1x4x128xi32, #tpu.memory_space<hbm>> -> memref<4x128xi32, #tpu.memory_space<hbm>>
      tpu.wait_dma2 semaphore(%run_scoped3A : memref<!tpu.dma_semaphore, #tpu.memory_space<semaphore_mem>>) src(%dma_wait3A_224 : memref<4x128xi32, #tpu.memory_space<hbm>>) dst(%arg5 : memref<4x128xi32, #tpu.memory_space<vmem>>)
      tpu.yield
    }) : () -> ()
    %dma_start3A = arith.constant 0 : i32
    %dma_start3A_3 = arith.constant 0 : i32
    %dma_start3A_4 = arith.constant 0 : i32
    %dma_start3A_5 = arith.constant 0 : i32
    %dma_start3A_6 = tpu.memref_slice %arg6[%dma_start3A_3, %dma_start3A_4, %dma_start3A_5] : memref<2x128x128xf32, #tpu.memory_space<vmem>> -> memref<1x128x128xf32, #tpu.memory_space<vmem>>
    %dma_start3A_7 = tpu.memref_squeeze %dma_start3A_6 : memref<1x128x128xf32, #tpu.memory_space<vmem>> -> memref<128x128xf32, #tpu.memory_space<vmem>>
    %dma_start3A_8 = arith.constant 0 : i32
    %dma_start3A_9 = tpu.memref_slice %arg5[%dma_start3A, %dma_start3A_8] : memref<4x128xi32, #tpu.memory_space<vmem>> -> memref<1x128xi32, #tpu.memory_space<vmem>>
    %dma_start3A_10 = tpu.memref_squeeze %dma_start3A_9 : memref<1x128xi32, #tpu.memory_space<vmem>> -> memref<128xi32, #tpu.memory_space<vmem>>
    %dma_start3A_11 = arith.constant 0 : i32
    %dma_start3A_12 = arith.constant 0 : i32
    %dma_start3A_13 = tpu.memref_slice %arg3[%dma_start3A_11, %dma_start3A_12] : memref<100000x128xf32, #tpu.memory_space<hbm>> -> memref<100000x128xf32, #tpu.memory_space<hbm>>
    tpu.enqueue_indirect_dma source(%dma_start3A_13 : memref<100000x128xf32, #tpu.memory_space<hbm>>) target(%dma_start3A_7 : memref<128x128xf32, #tpu.memory_space<vmem>>) offsets(%dma_start3A_10 : memref<128xi32, #tpu.memory_space<vmem>>) semaphore(%arg7 : memref<!tpu.dma_semaphore, #tpu.memory_space<semaphore_mem>>)
    %dma_start3A_14 = arith.constant 1 : i32
    %dma_start3A_15 = arith.constant 1 : i32
    %dma_start3A_16 = arith.constant 0 : i32
    %dma_start3A_17 = arith.constant 0 : i32
    %dma_start3A_18 = tpu.memref_slice %arg6[%dma_start3A_15, %dma_start3A_16, %dma_start3A_17] : memref<2x128x128xf32, #tpu.memory_space<vmem>> -> memref<1x128x128xf32, #tpu.memory_space<vmem>>
    %dma_start3A_19 = tpu.memref_squeeze %dma_start3A_18 : memref<1x128x128xf32, #tpu.memory_space<vmem>> -> memref<128x128xf32, #tpu.memory_space<vmem>>
    %dma_start3A_20 = arith.constant 0 : i32
    %dma_start3A_21 = tpu.memref_slice %arg5[%dma_start3A_14, %dma_start3A_20] : memref<4x128xi32, #tpu.memory_space<vmem>> -> memref<1x128xi32, #tpu.memory_space<vmem>>
    %dma_start3A_22 = tpu.memref_squeeze %dma_start3A_21 : memref<1x128xi32, #tpu.memory_space<vmem>> -> memref<128xi32, #tpu.memory_space<vmem>>
    %dma_start3A_23 = arith.constant 0 : i32
    %dma_start3A_24 = arith.constant 0 : i32
    %dma_start3A_25 = tpu.memref_slice %arg3[%dma_start3A_23, %dma_start3A_24] : memref<100000x128xf32, #tpu.memory_space<hbm>> -> memref<100000x128xf32, #tpu.memory_space<hbm>>
    tpu.enqueue_indirect_dma source(%dma_start3A_25 : memref<100000x128xf32, #tpu.memory_space<hbm>>) target(%dma_start3A_19 : memref<128x128xf32, #tpu.memory_space<vmem>>) offsets(%dma_start3A_22 : memref<128xi32, #tpu.memory_space<vmem>>) semaphore(%arg7 : memref<!tpu.dma_semaphore, #tpu.memory_space<semaphore_mem>>)
    %dma_wait3A = arith.constant 0 : i32
    %dma_wait3A_26 = arith.constant 0 : i32
    %dma_wait3A_27 = arith.constant 0 : i32
    %dma_wait3A_28 = arith.constant 0 : i32
    %dma_wait3A_29 = tpu.memref_slice %arg6[%dma_wait3A_26, %dma_wait3A_27, %dma_wait3A_28] : memref<2x128x128xf32, #tpu.memory_space<vmem>> -> memref<1x128x128xf32, #tpu.memory_space<vmem>>
    %dma_wait3A_30 = tpu.memref_squeeze %dma_wait3A_29 : memref<1x128x128xf32, #tpu.memory_space<vmem>> -> memref<128x128xf32, #tpu.memory_space<vmem>>
    %dma_wait3A_31 = arith.constant 0 : i32
    %dma_wait3A_32 = tpu.memref_slice %arg5[%dma_wait3A, %dma_wait3A_31] : memref<4x128xi32, #tpu.memory_space<vmem>> -> memref<1x128xi32, #tpu.memory_space<vmem>>
    %dma_wait3A_33 = tpu.memref_squeeze %dma_wait3A_32 : memref<1x128xi32, #tpu.memory_space<vmem>> -> memref<128xi32, #tpu.memory_space<vmem>>
    %dma_wait3A_34 = arith.constant 0 : i32
    %dma_wait3A_35 = arith.constant 0 : i32
    %dma_wait3A_36 = tpu.memref_slice %arg3[%dma_wait3A_34, %dma_wait3A_35] : memref<100000x128xf32, #tpu.memory_space<hbm>> -> memref<100000x128xf32, #tpu.memory_space<hbm>>
    tpu.wait_indirect_dma semaphore(%arg7 : memref<!tpu.dma_semaphore, #tpu.memory_space<semaphore_mem>>) src(%dma_wait3A_36 : memref<100000x128xf32, #tpu.memory_space<hbm>>) dst(%dma_wait3A_30 : memref<128x128xf32, #tpu.memory_space<vmem>>)
    %add3A_37 = arith.constant 0 : i32
    %add3A_38 = arith.addi %mul3A_2, %add3A_37 : i32
    %dma_start3A_39 = arith.constant 0 : i32
    %dma_start3A_40 = arith.constant 0 : i32
    %dma_start3A_41 = arith.constant 0 : i32
    %dma_start3A_42 = tpu.memref_slice %arg6[%dma_start3A_39, %dma_start3A_40, %dma_start3A_41] : memref<2x128x128xf32, #tpu.memory_space<vmem>> -> memref<1x128x128xf32, #tpu.memory_space<vmem>>
    %dma_start3A_43 = tpu.memref_squeeze %dma_start3A_42 : memref<1x128x128xf32, #tpu.memory_space<vmem>> -> memref<128x128xf32, #tpu.memory_space<vmem>>
    %dma_start3A_44 = arith.constant 0 : i32
    %dma_start3A_45 = tpu.memref_slice %arg4[%add3A_38, %dma_start3A_44] : memref<16384x128xf32, #tpu.memory_space<hbm>> -> memref<128x128xf32, #tpu.memory_space<hbm>>
    %dma_start3A_46 = arith.constant 0 : i32
    %dma_start3A_47 = tpu.memref_slice %arg4[%add3A_38, %dma_start3A_46] : memref<16384x128xf32, #tpu.memory_space<hbm>> -> memref<128x128xf32, #tpu.memory_space<hbm>>
    %dma_start3A_48 = arith.constant 0 : i32
    %dma_start3A_49 = arith.constant 0 : i32
    %dma_start3A_50 = tpu.memref_slice %arg6[%dma_start3A_39, %dma_start3A_48, %dma_start3A_49] : memref<2x128x128xf32, #tpu.memory_space<vmem>> -> memref<1x128x128xf32, #tpu.memory_space<vmem>>
    %dma_start3A_51 = tpu.memref_squeeze %dma_start3A_50 : memref<1x128x128xf32, #tpu.memory_space<vmem>> -> memref<128x128xf32, #tpu.memory_space<vmem>>
    tpu.enqueue_dma source(%dma_start3A_51 : memref<128x128xf32, #tpu.memory_space<vmem>>) target(%dma_start3A_47 : memref<128x128xf32, #tpu.memory_space<hbm>>) target_semaphore(%arg8 : memref<!tpu.dma_semaphore, #tpu.memory_space<semaphore_mem>>)
    %dma_start3A_52 = arith.constant 2 : i32
    %dma_start3A_53 = arith.constant 0 : i32
    %dma_start3A_54 = arith.constant 0 : i32
    %dma_start3A_55 = arith.constant 0 : i32
    %dma_start3A_56 = tpu.memref_slice %arg6[%dma_start3A_53, %dma_start3A_54, %dma_start3A_55] : memref<2x128x128xf32, #tpu.memory_space<vmem>> -> memref<1x128x128xf32, #tpu.memory_space<vmem>>
    %dma_start3A_57 = tpu.memref_squeeze %dma_start3A_56 : memref<1x128x128xf32, #tpu.memory_space<vmem>> -> memref<128x128xf32, #tpu.memory_space<vmem>>
    %dma_start3A_58 = arith.constant 0 : i32
    %dma_start3A_59 = tpu.memref_slice %arg5[%dma_start3A_52, %dma_start3A_58] : memref<4x128xi32, #tpu.memory_space<vmem>> -> memref<1x128xi32, #tpu.memory_space<vmem>>
    %dma_start3A_60 = tpu.memref_squeeze %dma_start3A_59 : memref<1x128xi32, #tpu.memory_space<vmem>> -> memref<128xi32, #tpu.memory_space<vmem>>
    %dma_start3A_61 = arith.constant 0 : i32
    %dma_start3A_62 = arith.constant 0 : i32
    %dma_start3A_63 = tpu.memref_slice %arg3[%dma_start3A_61, %dma_start3A_62] : memref<100000x128xf32, #tpu.memory_space<hbm>> -> memref<100000x128xf32, #tpu.memory_space<hbm>>
    tpu.enqueue_indirect_dma source(%dma_start3A_63 : memref<100000x128xf32, #tpu.memory_space<hbm>>) target(%dma_start3A_57 : memref<128x128xf32, #tpu.memory_space<vmem>>) offsets(%dma_start3A_60 : memref<128xi32, #tpu.memory_space<vmem>>) semaphore(%arg7 : memref<!tpu.dma_semaphore, #tpu.memory_space<semaphore_mem>>)
    %dma_wait3A_64 = arith.constant 1 : i32
    %dma_wait3A_65 = arith.constant 1 : i32
    %dma_wait3A_66 = arith.constant 0 : i32
    %dma_wait3A_67 = arith.constant 0 : i32
    %dma_wait3A_68 = tpu.memref_slice %arg6[%dma_wait3A_65, %dma_wait3A_66, %dma_wait3A_67] : memref<2x128x128xf32, #tpu.memory_space<vmem>> -> memref<1x128x128xf32, #tpu.memory_space<vmem>>
    %dma_wait3A_69 = tpu.memref_squeeze %dma_wait3A_68 : memref<1x128x128xf32, #tpu.memory_space<vmem>> -> memref<128x128xf32, #tpu.memory_space<vmem>>
    %dma_wait3A_70 = arith.constant 0 : i32
    %dma_wait3A_71 = tpu.memref_slice %arg5[%dma_wait3A_64, %dma_wait3A_70] : memref<4x128xi32, #tpu.memory_space<vmem>> -> memref<1x128xi32, #tpu.memory_space<vmem>>
    %dma_wait3A_72 = tpu.memref_squeeze %dma_wait3A_71 : memref<1x128xi32, #tpu.memory_space<vmem>> -> memref<128xi32, #tpu.memory_space<vmem>>
    %dma_wait3A_73 = arith.constant 0 : i32
    %dma_wait3A_74 = arith.constant 0 : i32
    %dma_wait3A_75 = tpu.memref_slice %arg3[%dma_wait3A_73, %dma_wait3A_74] : memref<100000x128xf32, #tpu.memory_space<hbm>> -> memref<100000x128xf32, #tpu.memory_space<hbm>>
    tpu.wait_indirect_dma semaphore(%arg7 : memref<!tpu.dma_semaphore, #tpu.memory_space<semaphore_mem>>) src(%dma_wait3A_75 : memref<100000x128xf32, #tpu.memory_space<hbm>>) dst(%dma_wait3A_69 : memref<128x128xf32, #tpu.memory_space<vmem>>)
    %dma_wait3A_76 = arith.constant 0 : i32
    %dma_wait3A_77 = arith.constant 0 : i32
    %dma_wait3A_78 = arith.constant 0 : i32
    %dma_wait3A_79 = tpu.memref_slice %arg6[%dma_wait3A_76, %dma_wait3A_77, %dma_wait3A_78] : memref<2x128x128xf32, #tpu.memory_space<vmem>> -> memref<1x128x128xf32, #tpu.memory_space<vmem>>
    %dma_wait3A_80 = tpu.memref_squeeze %dma_wait3A_79 : memref<1x128x128xf32, #tpu.memory_space<vmem>> -> memref<128x128xf32, #tpu.memory_space<vmem>>
    %dma_wait3A_81 = arith.constant 0 : i32
    %dma_wait3A_82 = tpu.memref_slice %arg4[%add3A_38, %dma_wait3A_81] : memref<16384x128xf32, #tpu.memory_space<hbm>> -> memref<128x128xf32, #tpu.memory_space<hbm>>
    %dma_wait3A_83 = arith.constant 0 : i32
    %dma_wait3A_84 = tpu.memref_slice %arg4[%add3A_38, %dma_wait3A_83] : memref<16384x128xf32, #tpu.memory_space<hbm>> -> memref<128x128xf32, #tpu.memory_space<hbm>>
    %dma_wait3A_85 = arith.constant 0 : i32
    %dma_wait3A_86 = arith.constant 0 : i32
    %dma_wait3A_87 = tpu.memref_slice %arg6[%dma_wait3A_76, %dma_wait3A_85, %dma_wait3A_86] : memref<2x128x128xf32, #tpu.memory_space<vmem>> -> memref<1x128x128xf32, #tpu.memory_space<vmem>>
    %dma_wait3A_88 = tpu.memref_squeeze %dma_wait3A_87 : memref<1x128x128xf32, #tpu.memory_space<vmem>> -> memref<128x128xf32, #tpu.memory_space<vmem>>
    tpu.wait_dma2 semaphore(%arg8 : memref<!tpu.dma_semaphore, #tpu.memory_space<semaphore_mem>>) src(%dma_wait3A_88 : memref<128x128xf32, #tpu.memory_space<vmem>>) dst(%dma_wait3A_84 : memref<128x128xf32, #tpu.memory_space<hbm>>)
    %add3A_89 = arith.constant 128 : i32
    %add3A_90 = arith.addi %mul3A_2, %add3A_89 : i32
    %dma_start3A_91 = arith.constant 1 : i32
    %dma_start3A_92 = arith.constant 0 : i32
    %dma_start3A_93 = arith.constant 0 : i32
    %dma_start3A_94 = tpu.memref_slice %arg6[%dma_start3A_91, %dma_start3A_92, %dma_start3A_93] : memref<2x128x128xf32, #tpu.memory_space<vmem>> -> memref<1x128x128xf32, #tpu.memory_space<vmem>>
    %dma_start3A_95 = tpu.memref_squeeze %dma_start3A_94 : memref<1x128x128xf32, #tpu.memory_space<vmem>> -> memref<128x128xf32, #tpu.memory_space<vmem>>
    %dma_start3A_96 = arith.constant 0 : i32
    %dma_start3A_97 = tpu.memref_slice %arg4[%add3A_90, %dma_start3A_96] : memref<16384x128xf32, #tpu.memory_space<hbm>> -> memref<128x128xf32, #tpu.memory_space<hbm>>
    %dma_start3A_98 = arith.constant 0 : i32
    %dma_start3A_99 = tpu.memref_slice %arg4[%add3A_90, %dma_start3A_98] : memref<16384x128xf32, #tpu.memory_space<hbm>> -> memref<128x128xf32, #tpu.memory_space<hbm>>
    %dma_start3A_100 = arith.constant 0 : i32
    %dma_start3A_101 = arith.constant 0 : i32
    %dma_start3A_102 = tpu.memref_slice %arg6[%dma_start3A_91, %dma_start3A_100, %dma_start3A_101] : memref<2x128x128xf32, #tpu.memory_space<vmem>> -> memref<1x128x128xf32, #tpu.memory_space<vmem>>
    %dma_start3A_103 = tpu.memref_squeeze %dma_start3A_102 : memref<1x128x128xf32, #tpu.memory_space<vmem>> -> memref<128x128xf32, #tpu.memory_space<vmem>>
    tpu.enqueue_dma source(%dma_start3A_103 : memref<128x128xf32, #tpu.memory_space<vmem>>) target(%dma_start3A_99 : memref<128x128xf32, #tpu.memory_space<hbm>>) target_semaphore(%arg8 : memref<!tpu.dma_semaphore, #tpu.memory_space<semaphore_mem>>)
    %dma_start3A_104 = arith.constant 3 : i32
    %dma_start3A_105 = arith.constant 1 : i32
    %dma_start3A_106 = arith.constant 0 : i32
    %dma_start3A_107 = arith.constant 0 : i32
    %dma_start3A_108 = tpu.memref_slice %arg6[%dma_start3A_105, %dma_start3A_106, %dma_start3A_107] : memref<2x128x128xf32, #tpu.memory_space<vmem>> -> memref<1x128x128xf32, #tpu.memory_space<vmem>>
    %dma_start3A_109 = tpu.memref_squeeze %dma_start3A_108 : memref<1x128x128xf32, #tpu.memory_space<vmem>> -> memref<128x128xf32, #tpu.memory_space<vmem>>
    %dma_start3A_110 = arith.constant 0 : i32
    %dma_start3A_111 = tpu.memref_slice %arg5[%dma_start3A_104, %dma_start3A_110] : memref<4x128xi32, #tpu.memory_space<vmem>> -> memref<1x128xi32, #tpu.memory_space<vmem>>
    %dma_start3A_112 = tpu.memref_squeeze %dma_start3A_111 : memref<1x128xi32, #tpu.memory_space<vmem>> -> memref<128xi32, #tpu.memory_space<vmem>>
    %dma_start3A_113 = arith.constant 0 : i32
    %dma_start3A_114 = arith.constant 0 : i32
    %dma_start3A_115 = tpu.memref_slice %arg3[%dma_start3A_113, %dma_start3A_114] : memref<100000x128xf32, #tpu.memory_space<hbm>> -> memref<100000x128xf32, #tpu.memory_space<hbm>>
    tpu.enqueue_indirect_dma source(%dma_start3A_115 : memref<100000x128xf32, #tpu.memory_space<hbm>>) target(%dma_start3A_109 : memref<128x128xf32, #tpu.memory_space<vmem>>) offsets(%dma_start3A_112 : memref<128xi32, #tpu.memory_space<vmem>>) semaphore(%arg7 : memref<!tpu.dma_semaphore, #tpu.memory_space<semaphore_mem>>)
    %dma_wait3A_116 = arith.constant 2 : i32
    %dma_wait3A_117 = arith.constant 0 : i32
    %dma_wait3A_118 = arith.constant 0 : i32
    %dma_wait3A_119 = arith.constant 0 : i32
    %dma_wait3A_120 = tpu.memref_slice %arg6[%dma_wait3A_117, %dma_wait3A_118, %dma_wait3A_119] : memref<2x128x128xf32, #tpu.memory_space<vmem>> -> memref<1x128x128xf32, #tpu.memory_space<vmem>>
    %dma_wait3A_121 = tpu.memref_squeeze %dma_wait3A_120 : memref<1x128x128xf32, #tpu.memory_space<vmem>> -> memref<128x128xf32, #tpu.memory_space<vmem>>
    %dma_wait3A_122 = arith.constant 0 : i32
    %dma_wait3A_123 = tpu.memref_slice %arg5[%dma_wait3A_116, %dma_wait3A_122] : memref<4x128xi32, #tpu.memory_space<vmem>> -> memref<1x128xi32, #tpu.memory_space<vmem>>
    %dma_wait3A_124 = tpu.memref_squeeze %dma_wait3A_123 : memref<1x128xi32, #tpu.memory_space<vmem>> -> memref<128xi32, #tpu.memory_space<vmem>>
    %dma_wait3A_125 = arith.constant 0 : i32
    %dma_wait3A_126 = arith.constant 0 : i32
    %dma_wait3A_127 = tpu.memref_slice %arg3[%dma_wait3A_125, %dma_wait3A_126] : memref<100000x128xf32, #tpu.memory_space<hbm>> -> memref<100000x128xf32, #tpu.memory_space<hbm>>
    tpu.wait_indirect_dma semaphore(%arg7 : memref<!tpu.dma_semaphore, #tpu.memory_space<semaphore_mem>>) src(%dma_wait3A_127 : memref<100000x128xf32, #tpu.memory_space<hbm>>) dst(%dma_wait3A_121 : memref<128x128xf32, #tpu.memory_space<vmem>>)
    %dma_wait3A_128 = arith.constant 1 : i32
    %dma_wait3A_129 = arith.constant 0 : i32
    %dma_wait3A_130 = arith.constant 0 : i32
    %dma_wait3A_131 = tpu.memref_slice %arg6[%dma_wait3A_128, %dma_wait3A_129, %dma_wait3A_130] : memref<2x128x128xf32, #tpu.memory_space<vmem>> -> memref<1x128x128xf32, #tpu.memory_space<vmem>>
    %dma_wait3A_132 = tpu.memref_squeeze %dma_wait3A_131 : memref<1x128x128xf32, #tpu.memory_space<vmem>> -> memref<128x128xf32, #tpu.memory_space<vmem>>
    %dma_wait3A_133 = arith.constant 0 : i32
    %dma_wait3A_134 = tpu.memref_slice %arg4[%add3A_90, %dma_wait3A_133] : memref<16384x128xf32, #tpu.memory_space<hbm>> -> memref<128x128xf32, #tpu.memory_space<hbm>>
    %dma_wait3A_135 = arith.constant 0 : i32
    %dma_wait3A_136 = tpu.memref_slice %arg4[%add3A_90, %dma_wait3A_135] : memref<16384x128xf32, #tpu.memory_space<hbm>> -> memref<128x128xf32, #tpu.memory_space<hbm>>
    %dma_wait3A_137 = arith.constant 0 : i32
    %dma_wait3A_138 = arith.constant 0 : i32
    %dma_wait3A_139 = tpu.memref_slice %arg6[%dma_wait3A_128, %dma_wait3A_137, %dma_wait3A_138] : memref<2x128x128xf32, #tpu.memory_space<vmem>> -> memref<1x128x128xf32, #tpu.memory_space<vmem>>
    %dma_wait3A_140 = tpu.memref_squeeze %dma_wait3A_139 : memref<1x128x128xf32, #tpu.memory_space<vmem>> -> memref<128x128xf32, #tpu.memory_space<vmem>>
    tpu.wait_dma2 semaphore(%arg8 : memref<!tpu.dma_semaphore, #tpu.memory_space<semaphore_mem>>) src(%dma_wait3A_140 : memref<128x128xf32, #tpu.memory_space<vmem>>) dst(%dma_wait3A_136 : memref<128x128xf32, #tpu.memory_space<hbm>>)
    %add3A_141 = arith.constant 256 : i32
    %add3A_142 = arith.addi %mul3A_2, %add3A_141 : i32
    %dma_start3A_143 = arith.constant 0 : i32
    %dma_start3A_144 = arith.constant 0 : i32
    %dma_start3A_145 = arith.constant 0 : i32
    %dma_start3A_146 = tpu.memref_slice %arg6[%dma_start3A_143, %dma_start3A_144, %dma_start3A_145] : memref<2x128x128xf32, #tpu.memory_space<vmem>> -> memref<1x128x128xf32, #tpu.memory_space<vmem>>
    %dma_start3A_147 = tpu.memref_squeeze %dma_start3A_146 : memref<1x128x128xf32, #tpu.memory_space<vmem>> -> memref<128x128xf32, #tpu.memory_space<vmem>>
    %dma_start3A_148 = arith.constant 0 : i32
    %dma_start3A_149 = tpu.memref_slice %arg4[%add3A_142, %dma_start3A_148] : memref<16384x128xf32, #tpu.memory_space<hbm>> -> memref<128x128xf32, #tpu.memory_space<hbm>>
    %dma_start3A_150 = arith.constant 0 : i32
    %dma_start3A_151 = tpu.memref_slice %arg4[%add3A_142, %dma_start3A_150] : memref<16384x128xf32, #tpu.memory_space<hbm>> -> memref<128x128xf32, #tpu.memory_space<hbm>>
    %dma_start3A_152 = arith.constant 0 : i32
    %dma_start3A_153 = arith.constant 0 : i32
    %dma_start3A_154 = tpu.memref_slice %arg6[%dma_start3A_143, %dma_start3A_152, %dma_start3A_153] : memref<2x128x128xf32, #tpu.memory_space<vmem>> -> memref<1x128x128xf32, #tpu.memory_space<vmem>>
    %dma_start3A_155 = tpu.memref_squeeze %dma_start3A_154 : memref<1x128x128xf32, #tpu.memory_space<vmem>> -> memref<128x128xf32, #tpu.memory_space<vmem>>
    tpu.enqueue_dma source(%dma_start3A_155 : memref<128x128xf32, #tpu.memory_space<vmem>>) target(%dma_start3A_151 : memref<128x128xf32, #tpu.memory_space<hbm>>) target_semaphore(%arg8 : memref<!tpu.dma_semaphore, #tpu.memory_space<semaphore_mem>>)
    %dma_wait3A_156 = arith.constant 3 : i32
    %dma_wait3A_157 = arith.constant 1 : i32
    %dma_wait3A_158 = arith.constant 0 : i32
    %dma_wait3A_159 = arith.constant 0 : i32
    %dma_wait3A_160 = tpu.memref_slice %arg6[%dma_wait3A_157, %dma_wait3A_158, %dma_wait3A_159] : memref<2x128x128xf32, #tpu.memory_space<vmem>> -> memref<1x128x128xf32, #tpu.memory_space<vmem>>
    %dma_wait3A_161 = tpu.memref_squeeze %dma_wait3A_160 : memref<1x128x128xf32, #tpu.memory_space<vmem>> -> memref<128x128xf32, #tpu.memory_space<vmem>>
    %dma_wait3A_162 = arith.constant 0 : i32
    %dma_wait3A_163 = tpu.memref_slice %arg5[%dma_wait3A_156, %dma_wait3A_162] : memref<4x128xi32, #tpu.memory_space<vmem>> -> memref<1x128xi32, #tpu.memory_space<vmem>>
    %dma_wait3A_164 = tpu.memref_squeeze %dma_wait3A_163 : memref<1x128xi32, #tpu.memory_space<vmem>> -> memref<128xi32, #tpu.memory_space<vmem>>
    %dma_wait3A_165 = arith.constant 0 : i32
    %dma_wait3A_166 = arith.constant 0 : i32
    %dma_wait3A_167 = tpu.memref_slice %arg3[%dma_wait3A_165, %dma_wait3A_166] : memref<100000x128xf32, #tpu.memory_space<hbm>> -> memref<100000x128xf32, #tpu.memory_space<hbm>>
    tpu.wait_indirect_dma semaphore(%arg7 : memref<!tpu.dma_semaphore, #tpu.memory_space<semaphore_mem>>) src(%dma_wait3A_167 : memref<100000x128xf32, #tpu.memory_space<hbm>>) dst(%dma_wait3A_161 : memref<128x128xf32, #tpu.memory_space<vmem>>)
    %dma_wait3A_168 = arith.constant 0 : i32
    %dma_wait3A_169 = arith.constant 0 : i32
    %dma_wait3A_170 = arith.constant 0 : i32
    %dma_wait3A_171 = tpu.memref_slice %arg6[%dma_wait3A_168, %dma_wait3A_169, %dma_wait3A_170] : memref<2x128x128xf32, #tpu.memory_space<vmem>> -> memref<1x128x128xf32, #tpu.memory_space<vmem>>
    %dma_wait3A_172 = tpu.memref_squeeze %dma_wait3A_171 : memref<1x128x128xf32, #tpu.memory_space<vmem>> -> memref<128x128xf32, #tpu.memory_space<vmem>>
    %dma_wait3A_173 = arith.constant 0 : i32
    %dma_wait3A_174 = tpu.memref_slice %arg4[%add3A_142, %dma_wait3A_173] : memref<16384x128xf32, #tpu.memory_space<hbm>> -> memref<128x128xf32, #tpu.memory_space<hbm>>
    %dma_wait3A_175 = arith.constant 0 : i32
    %dma_wait3A_176 = tpu.memref_slice %arg4[%add3A_142, %dma_wait3A_175] : memref<16384x128xf32, #tpu.memory_space<hbm>> -> memref<128x128xf32, #tpu.memory_space<hbm>>
    %dma_wait3A_177 = arith.constant 0 : i32
    %dma_wait3A_178 = arith.constant 0 : i32
    %dma_wait3A_179 = tpu.memref_slice %arg6[%dma_wait3A_168, %dma_wait3A_177, %dma_wait3A_178] : memref<2x128x128xf32, #tpu.memory_space<vmem>> -> memref<1x128x128xf32, #tpu.memory_space<vmem>>
    %dma_wait3A_180 = tpu.memref_squeeze %dma_wait3A_179 : memref<1x128x128xf32, #tpu.memory_space<vmem>> -> memref<128x128xf32, #tpu.memory_space<vmem>>
    tpu.wait_dma2 semaphore(%arg8 : memref<!tpu.dma_semaphore, #tpu.memory_space<semaphore_mem>>) src(%dma_wait3A_180 : memref<128x128xf32, #tpu.memory_space<vmem>>) dst(%dma_wait3A_176 : memref<128x128xf32, #tpu.memory_space<hbm>>)
    %add3A_181 = arith.constant 384 : i32
    %add3A_182 = arith.addi %mul3A_2, %add3A_181 : i32
    %dma_start3A_183 = arith.constant 1 : i32
    %dma_start3A_184 = arith.constant 0 : i32
    %dma_start3A_185 = arith.constant 0 : i32
    %dma_start3A_186 = tpu.memref_slice %arg6[%dma_start3A_183, %dma_start3A_184, %dma_start3A_185] : memref<2x128x128xf32, #tpu.memory_space<vmem>> -> memref<1x128x128xf32, #tpu.memory_space<vmem>>
    %dma_start3A_187 = tpu.memref_squeeze %dma_start3A_186 : memref<1x128x128xf32, #tpu.memory_space<vmem>> -> memref<128x128xf32, #tpu.memory_space<vmem>>
    %dma_start3A_188 = arith.constant 0 : i32
    %dma_start3A_189 = tpu.memref_slice %arg4[%add3A_182, %dma_start3A_188] : memref<16384x128xf32, #tpu.memory_space<hbm>> -> memref<128x128xf32, #tpu.memory_space<hbm>>
    %dma_start3A_190 = arith.constant 0 : i32
    %dma_start3A_191 = tpu.memref_slice %arg4[%add3A_182, %dma_start3A_190] : memref<16384x128xf32, #tpu.memory_space<hbm>> -> memref<128x128xf32, #tpu.memory_space<hbm>>
    %dma_start3A_192 = arith.constant 0 : i32
    %dma_start3A_193 = arith.constant 0 : i32
    %dma_start3A_194 = tpu.memref_slice %arg6[%dma_start3A_183, %dma_start3A_192, %dma_start3A_193] : memref<2x128x128xf32, #tpu.memory_space<vmem>> -> memref<1x128x128xf32, #tpu.memory_space<vmem>>
    %dma_start3A_195 = tpu.memref_squeeze %dma_start3A_194 : memref<1x128x128xf32, #tpu.memory_space<vmem>> -> memref<128x128xf32, #tpu.memory_space<vmem>>
    tpu.enqueue_dma source(%dma_start3A_195 : memref<128x128xf32, #tpu.memory_space<vmem>>) target(%dma_start3A_191 : memref<128x128xf32, #tpu.memory_space<hbm>>) target_semaphore(%arg8 : memref<!tpu.dma_semaphore, #tpu.memory_space<semaphore_mem>>)
    %dma_wait3A_196 = arith.constant 1 : i32
    %dma_wait3A_197 = arith.constant 0 : i32
    %dma_wait3A_198 = arith.constant 0 : i32
    %dma_wait3A_199 = tpu.memref_slice %arg6[%dma_wait3A_196, %dma_wait3A_197, %dma_wait3A_198] : memref<2x128x128xf32, #tpu.memory_space<vmem>> -> memref<1x128x128xf32, #tpu.memory_space<vmem>>
    %dma_wait3A_200 = tpu.memref_squeeze %dma_wait3A_199 : memref<1x128x128xf32, #tpu.memory_space<vmem>> -> memref<128x128xf32, #tpu.memory_space<vmem>>
    %dma_wait3A_201 = arith.constant 0 : i32
    %dma_wait3A_202 = tpu.memref_slice %arg4[%add3A_182, %dma_wait3A_201] : memref<16384x128xf32, #tpu.memory_space<hbm>> -> memref<128x128xf32, #tpu.memory_space<hbm>>
    %dma_wait3A_203 = arith.constant 0 : i32
    %dma_wait3A_204 = tpu.memref_slice %arg4[%add3A_182, %dma_wait3A_203] : memref<16384x128xf32, #tpu.memory_space<hbm>> -> memref<128x128xf32, #tpu.memory_space<hbm>>
    %dma_wait3A_205 = arith.constant 0 : i32
    %dma_wait3A_206 = arith.constant 0 : i32
    %dma_wait3A_207 = tpu.memref_slice %arg6[%dma_wait3A_196, %dma_wait3A_205, %dma_wait3A_206] : memref<2x128x128xf32, #tpu.memory_space<vmem>> -> memref<1x128x128xf32, #tpu.memory_space<vmem>>
    %dma_wait3A_208 = tpu.memref_squeeze %dma_wait3A_207 : memref<1x128x128xf32, #tpu.memory_space<vmem>> -> memref<128x128xf32, #tpu.memory_space<vmem>>
    tpu.wait_dma2 semaphore(%arg8 : memref<!tpu.dma_semaphore, #tpu.memory_space<semaphore_mem>>) src(%dma_wait3A_208 : memref<128x128xf32, #tpu.memory_space<vmem>>) dst(%dma_wait3A_204 : memref<128x128xf32, #tpu.memory_space<hbm>>)
    return
  }
}

#map = affine_map<(d0, d1) -> (0, 0, 0)>
#map1 = affine_map<(d0, d1) -> (0, 0)>
module attributes {stable_mosaic.version = 14 : i64} {
  func.func @news_encoder_sc_gather64(%arg0: i32, %arg1: i32, %arg2: memref<32x4x128xi32, #tpu.memory_space<hbm>>, %arg3: memref<32x4x128xi32, #tpu.memory_space<hbm>>, %arg4: memref<1000x64xf32, #tpu.memory_space<hbm>>, %arg5: memref<100000x64xf32, #tpu.memory_space<hbm>>, %arg6: memref<16384x128xf32, #tpu.memory_space<hbm>>, %arg7: memref<2x4x128xi32, #tpu.memory_space<vmem>>, %arg8: memref<2x128x64xf32, #tpu.memory_space<vmem>>, %arg9: memref<2x128x64xf32, #tpu.memory_space<vmem>>, %arg10: memref<!tpu.dma_semaphore, #tpu.memory_space<semaphore_mem>>, %arg11: memref<!tpu.dma_semaphore, #tpu.memory_space<semaphore_mem>>) attributes {dimension_semantics = [#tpu.dimension_semantics<core_parallel>, #tpu.dimension_semantics<subcore_parallel>], iteration_bounds = array<i64: 2, 16>, scalar_prefetch = 0 : i64, scratch_operands = 5 : i64, tpu.core_type = #tpu.core_type<sc_vector_subcore>, window_params = [{transform_indices = #map}, {transform_indices = #map}, {transform_indices = #map1}, {transform_indices = #map1}, {transform_indices = #map1}]} {
    %mul3A = arith.constant 2 : i32
    %mul3A_0 = arith.muli %arg1, %mul3A : i32
    %add3A = arith.addi %mul3A_0, %arg0 : i32
    %mul3A_1 = arith.constant 512 : i32
    %mul3A_2 = arith.muli %add3A, %mul3A_1 : i32
    %run_scoped3A = arith.constant 0 : i32
    "tpu.region"() ({
      %run_scoped3A_522 = tpu.sem_alloc : memref<!tpu.dma_semaphore, #tpu.memory_space<semaphore_mem>>
      %dma_start3A_523 = arith.constant 0 : i32
      %dma_start3A_524 = arith.constant 0 : i32
      %dma_start3A_525 = tpu.memref_slice %arg7[%run_scoped3A, %dma_start3A_523, %dma_start3A_524] : memref<2x4x128xi32, #tpu.memory_space<vmem>> -> memref<1x4x128xi32, #tpu.memory_space<vmem>>
      %dma_start3A_526 = tpu.memref_squeeze %dma_start3A_525 : memref<1x4x128xi32, #tpu.memory_space<vmem>> -> memref<4x128xi32, #tpu.memory_space<vmem>>
      %dma_start3A_527 = arith.constant 0 : i32
      %dma_start3A_528 = arith.constant 0 : i32
      %dma_start3A_529 = tpu.memref_slice %arg2[%add3A, %dma_start3A_527, %dma_start3A_528] : memref<32x4x128xi32, #tpu.memory_space<hbm>> -> memref<1x4x128xi32, #tpu.memory_space<hbm>>
      %dma_start3A_530 = tpu.memref_squeeze %dma_start3A_529 : memref<1x4x128xi32, #tpu.memory_space<hbm>> -> memref<4x128xi32, #tpu.memory_space<hbm>>
      %dma_start3A_531 = arith.constant 0 : i32
      %dma_start3A_532 = arith.constant 0 : i32
      %dma_start3A_533 = tpu.memref_slice %arg7[%run_scoped3A, %dma_start3A_531, %dma_start3A_532] : memref<2x4x128xi32, #tpu.memory_space<vmem>> -> memref<1x4x128xi32, #tpu.memory_space<vmem>>
      %dma_start3A_534 = tpu.memref_squeeze %dma_start3A_533 : memref<1x4x128xi32, #tpu.memory_space<vmem>> -> memref<4x128xi32, #tpu.memory_space<vmem>>
      %dma_start3A_535 = arith.constant 0 : i32
      %dma_start3A_536 = arith.constant 0 : i32
      %dma_start3A_537 = tpu.memref_slice %arg2[%add3A, %dma_start3A_535, %dma_start3A_536] : memref<32x4x128xi32, #tpu.memory_space<hbm>> -> memref<1x4x128xi32, #tpu.memory_space<hbm>>
      %dma_start3A_538 = tpu.memref_squeeze %dma_start3A_537 : memref<1x4x128xi32, #tpu.memory_space<hbm>> -> memref<4x128xi32, #tpu.memory_space<hbm>>
      tpu.enqueue_dma source(%dma_start3A_538 : memref<4x128xi32, #tpu.memory_space<hbm>>) target(%dma_start3A_534 : memref<4x128xi32, #tpu.memory_space<vmem>>) target_semaphore(%run_scoped3A_522 : memref<!tpu.dma_semaphore, #tpu.memory_space<semaphore_mem>>)
      %dma_wait3A_539 = arith.constant 0 : i32
      %dma_wait3A_540 = arith.constant 0 : i32
      %dma_wait3A_541 = tpu.memref_slice %arg7[%run_scoped3A, %dma_wait3A_539, %dma_wait3A_540] : memref<2x4x128xi32, #tpu.memory_space<vmem>> -> memref<1x4x128xi32, #tpu.memory_space<vmem>>
      %dma_wait3A_542 = tpu.memref_squeeze %dma_wait3A_541 : memref<1x4x128xi32, #tpu.memory_space<vmem>> -> memref<4x128xi32, #tpu.memory_space<vmem>>
      %dma_wait3A_543 = arith.constant 0 : i32
      %dma_wait3A_544 = arith.constant 0 : i32
      %dma_wait3A_545 = tpu.memref_slice %arg2[%add3A, %dma_wait3A_543, %dma_wait3A_544] : memref<32x4x128xi32, #tpu.memory_space<hbm>> -> memref<1x4x128xi32, #tpu.memory_space<hbm>>
      %dma_wait3A_546 = tpu.memref_squeeze %dma_wait3A_545 : memref<1x4x128xi32, #tpu.memory_space<hbm>> -> memref<4x128xi32, #tpu.memory_space<hbm>>
      %dma_wait3A_547 = arith.constant 0 : i32
      %dma_wait3A_548 = arith.constant 0 : i32
      %dma_wait3A_549 = tpu.memref_slice %arg7[%run_scoped3A, %dma_wait3A_547, %dma_wait3A_548] : memref<2x4x128xi32, #tpu.memory_space<vmem>> -> memref<1x4x128xi32, #tpu.memory_space<vmem>>
      %dma_wait3A_550 = tpu.memref_squeeze %dma_wait3A_549 : memref<1x4x128xi32, #tpu.memory_space<vmem>> -> memref<4x128xi32, #tpu.memory_space<vmem>>
      %dma_wait3A_551 = arith.constant 0 : i32
      %dma_wait3A_552 = arith.constant 0 : i32
      %dma_wait3A_553 = tpu.memref_slice %arg2[%add3A, %dma_wait3A_551, %dma_wait3A_552] : memref<32x4x128xi32, #tpu.memory_space<hbm>> -> memref<1x4x128xi32, #tpu.memory_space<hbm>>
      %dma_wait3A_554 = tpu.memref_squeeze %dma_wait3A_553 : memref<1x4x128xi32, #tpu.memory_space<hbm>> -> memref<4x128xi32, #tpu.memory_space<hbm>>
      tpu.wait_dma2 semaphore(%run_scoped3A_522 : memref<!tpu.dma_semaphore, #tpu.memory_space<semaphore_mem>>) src(%dma_wait3A_554 : memref<4x128xi32, #tpu.memory_space<hbm>>) dst(%dma_wait3A_550 : memref<4x128xi32, #tpu.memory_space<vmem>>)
      tpu.yield
    }) : () -> ()
    %run_scoped3A_3 = arith.constant 1 : i32
    "tpu.region"() ({
      %run_scoped3A_522 = tpu.sem_alloc : memref<!tpu.dma_semaphore, #tpu.memory_space<semaphore_mem>>
      %dma_start3A_523 = arith.constant 0 : i32
      %dma_start3A_524 = arith.constant 0 : i32
      %dma_start3A_525 = tpu.memref_slice %arg7[%run_scoped3A_3, %dma_start3A_523, %dma_start3A_524] : memref<2x4x128xi32, #tpu.memory_space<vmem>> -> memref<1x4x128xi32, #tpu.memory_space<vmem>>
      %dma_start3A_526 = tpu.memref_squeeze %dma_start3A_525 : memref<1x4x128xi32, #tpu.memory_space<vmem>> -> memref<4x128xi32, #tpu.memory_space<vmem>>
      %dma_start3A_527 = arith.constant 0 : i32
      %dma_start3A_528 = arith.constant 0 : i32
      %dma_start3A_529 = tpu.memref_slice %arg3[%add3A, %dma_start3A_527, %dma_start3A_528] : memref<32x4x128xi32, #tpu.memory_space<hbm>> -> memref<1x4x128xi32, #tpu.memory_space<hbm>>
      %dma_start3A_530 = tpu.memref_squeeze %dma_start3A_529 : memref<1x4x128xi32, #tpu.memory_space<hbm>> -> memref<4x128xi32, #tpu.memory_space<hbm>>
      %dma_start3A_531 = arith.constant 0 : i32
      %dma_start3A_532 = arith.constant 0 : i32
      %dma_start3A_533 = tpu.memref_slice %arg7[%run_scoped3A_3, %dma_start3A_531, %dma_start3A_532] : memref<2x4x128xi32, #tpu.memory_space<vmem>> -> memref<1x4x128xi32, #tpu.memory_space<vmem>>
      %dma_start3A_534 = tpu.memref_squeeze %dma_start3A_533 : memref<1x4x128xi32, #tpu.memory_space<vmem>> -> memref<4x128xi32, #tpu.memory_space<vmem>>
      %dma_start3A_535 = arith.constant 0 : i32
      %dma_start3A_536 = arith.constant 0 : i32
      %dma_start3A_537 = tpu.memref_slice %arg3[%add3A, %dma_start3A_535, %dma_start3A_536] : memref<32x4x128xi32, #tpu.memory_space<hbm>> -> memref<1x4x128xi32, #tpu.memory_space<hbm>>
      %dma_start3A_538 = tpu.memref_squeeze %dma_start3A_537 : memref<1x4x128xi32, #tpu.memory_space<hbm>> -> memref<4x128xi32, #tpu.memory_space<hbm>>
      tpu.enqueue_dma source(%dma_start3A_538 : memref<4x128xi32, #tpu.memory_space<hbm>>) target(%dma_start3A_534 : memref<4x128xi32, #tpu.memory_space<vmem>>) target_semaphore(%run_scoped3A_522 : memref<!tpu.dma_semaphore, #tpu.memory_space<semaphore_mem>>)
      %dma_wait3A_539 = arith.constant 0 : i32
      %dma_wait3A_540 = arith.constant 0 : i32
      %dma_wait3A_541 = tpu.memref_slice %arg7[%run_scoped3A_3, %dma_wait3A_539, %dma_wait3A_540] : memref<2x4x128xi32, #tpu.memory_space<vmem>> -> memref<1x4x128xi32, #tpu.memory_space<vmem>>
      %dma_wait3A_542 = tpu.memref_squeeze %dma_wait3A_541 : memref<1x4x128xi32, #tpu.memory_space<vmem>> -> memref<4x128xi32, #tpu.memory_space<vmem>>
      %dma_wait3A_543 = arith.constant 0 : i32
      %dma_wait3A_544 = arith.constant 0 : i32
      %dma_wait3A_545 = tpu.memref_slice %arg3[%add3A, %dma_wait3A_543, %dma_wait3A_544] : memref<32x4x128xi32, #tpu.memory_space<hbm>> -> memref<1x4x128xi32, #tpu.memory_space<hbm>>
      %dma_wait3A_546 = tpu.memref_squeeze %dma_wait3A_545 : memref<1x4x128xi32, #tpu.memory_space<hbm>> -> memref<4x128xi32, #tpu.memory_space<hbm>>
      %dma_wait3A_547 = arith.constant 0 : i32
      %dma_wait3A_548 = arith.constant 0 : i32
      %dma_wait3A_549 = tpu.memref_slice %arg7[%run_scoped3A_3, %dma_wait3A_547, %dma_wait3A_548] : memref<2x4x128xi32, #tpu.memory_space<vmem>> -> memref<1x4x128xi32, #tpu.memory_space<vmem>>
      %dma_wait3A_550 = tpu.memref_squeeze %dma_wait3A_549 : memref<1x4x128xi32, #tpu.memory_space<vmem>> -> memref<4x128xi32, #tpu.memory_space<vmem>>
      %dma_wait3A_551 = arith.constant 0 : i32
      %dma_wait3A_552 = arith.constant 0 : i32
      %dma_wait3A_553 = tpu.memref_slice %arg3[%add3A, %dma_wait3A_551, %dma_wait3A_552] : memref<32x4x128xi32, #tpu.memory_space<hbm>> -> memref<1x4x128xi32, #tpu.memory_space<hbm>>
      %dma_wait3A_554 = tpu.memref_squeeze %dma_wait3A_553 : memref<1x4x128xi32, #tpu.memory_space<hbm>> -> memref<4x128xi32, #tpu.memory_space<hbm>>
      tpu.wait_dma2 semaphore(%run_scoped3A_522 : memref<!tpu.dma_semaphore, #tpu.memory_space<semaphore_mem>>) src(%dma_wait3A_554 : memref<4x128xi32, #tpu.memory_space<hbm>>) dst(%dma_wait3A_550 : memref<4x128xi32, #tpu.memory_space<vmem>>)
      tpu.yield
    }) : () -> ()
    %dma_start3A = arith.constant 0 : i32
    %dma_start3A_4 = arith.constant 0 : i32
    %dma_start3A_5 = arith.constant 0 : i32
    %dma_start3A_6 = arith.constant 0 : i32
    %dma_start3A_7 = arith.constant 0 : i32
    %dma_start3A_8 = tpu.memref_slice %arg8[%dma_start3A_5, %dma_start3A_6, %dma_start3A_7] : memref<2x128x64xf32, #tpu.memory_space<vmem>> -> memref<1x128x64xf32, #tpu.memory_space<vmem>>
    %dma_start3A_9 = tpu.memref_squeeze %dma_start3A_8 : memref<1x128x64xf32, #tpu.memory_space<vmem>> -> memref<128x64xf32, #tpu.memory_space<vmem>>
    %dma_start3A_10 = arith.constant 0 : i32
    %dma_start3A_11 = tpu.memref_slice %arg7[%dma_start3A, %dma_start3A_4, %dma_start3A_10] : memref<2x4x128xi32, #tpu.memory_space<vmem>> -> memref<1x1x128xi32, #tpu.memory_space<vmem>>
    %dma_start3A_12 = tpu.memref_squeeze %dma_start3A_11 : memref<1x1x128xi32, #tpu.memory_space<vmem>> -> memref<128xi32, #tpu.memory_space<vmem>>
    %dma_start3A_13 = arith.constant 0 : i32
    %dma_start3A_14 = arith.constant 0 : i32
    %dma_start3A_15 = tpu.memref_slice %arg4[%dma_start3A_13, %dma_start3A_14] : memref<1000x64xf32, #tpu.memory_space<hbm>> -> memref<1000x64xf32, #tpu.memory_space<hbm>>
    tpu.enqueue_indirect_dma source(%dma_start3A_15 : memref<1000x64xf32, #tpu.memory_space<hbm>>) target(%dma_start3A_9 : memref<128x64xf32, #tpu.memory_space<vmem>>) offsets(%dma_start3A_12 : memref<128xi32, #tpu.memory_space<vmem>>) semaphore(%arg10 : memref<!tpu.dma_semaphore, #tpu.memory_space<semaphore_mem>>)
    %dma_start3A_16 = arith.constant 1 : i32
    %dma_start3A_17 = arith.constant 0 : i32
    %dma_start3A_18 = arith.constant 0 : i32
    %dma_start3A_19 = arith.constant 0 : i32
    %dma_start3A_20 = arith.constant 0 : i32
    %dma_start3A_21 = tpu.memref_slice %arg9[%dma_start3A_18, %dma_start3A_19, %dma_start3A_20] : memref<2x128x64xf32, #tpu.memory_space<vmem>> -> memref<1x128x64xf32, #tpu.memory_space<vmem>>
    %dma_start3A_22 = tpu.memref_squeeze %dma_start3A_21 : memref<1x128x64xf32, #tpu.memory_space<vmem>> -> memref<128x64xf32, #tpu.memory_space<vmem>>
    %dma_start3A_23 = arith.constant 0 : i32
    %dma_start3A_24 = tpu.memref_slice %arg7[%dma_start3A_16, %dma_start3A_17, %dma_start3A_23] : memref<2x4x128xi32, #tpu.memory_space<vmem>> -> memref<1x1x128xi32, #tpu.memory_space<vmem>>
    %dma_start3A_25 = tpu.memref_squeeze %dma_start3A_24 : memref<1x1x128xi32, #tpu.memory_space<vmem>> -> memref<128xi32, #tpu.memory_space<vmem>>
    %dma_start3A_26 = arith.constant 0 : i32
    %dma_start3A_27 = arith.constant 0 : i32
    %dma_start3A_28 = tpu.memref_slice %arg5[%dma_start3A_26, %dma_start3A_27] : memref<100000x64xf32, #tpu.memory_space<hbm>> -> memref<100000x64xf32, #tpu.memory_space<hbm>>
    tpu.enqueue_indirect_dma source(%dma_start3A_28 : memref<100000x64xf32, #tpu.memory_space<hbm>>) target(%dma_start3A_22 : memref<128x64xf32, #tpu.memory_space<vmem>>) offsets(%dma_start3A_25 : memref<128xi32, #tpu.memory_space<vmem>>) semaphore(%arg10 : memref<!tpu.dma_semaphore, #tpu.memory_space<semaphore_mem>>)
    %dma_start3A_29 = arith.constant 0 : i32
    %dma_start3A_30 = arith.constant 1 : i32
    %dma_start3A_31 = arith.constant 1 : i32
    %dma_start3A_32 = arith.constant 0 : i32
    %dma_start3A_33 = arith.constant 0 : i32
    %dma_start3A_34 = tpu.memref_slice %arg8[%dma_start3A_31, %dma_start3A_32, %dma_start3A_33] : memref<2x128x64xf32, #tpu.memory_space<vmem>> -> memref<1x128x64xf32, #tpu.memory_space<vmem>>
    %dma_start3A_35 = tpu.memref_squeeze %dma_start3A_34 : memref<1x128x64xf32, #tpu.memory_space<vmem>> -> memref<128x64xf32, #tpu.memory_space<vmem>>
    %dma_start3A_36 = arith.constant 0 : i32
    %dma_start3A_37 = tpu.memref_slice %arg7[%dma_start3A_29, %dma_start3A_30, %dma_start3A_36] : memref<2x4x128xi32, #tpu.memory_space<vmem>> -> memref<1x1x128xi32, #tpu.memory_space<vmem>>
    %dma_start3A_38 = tpu.memref_squeeze %dma_start3A_37 : memref<1x1x128xi32, #tpu.memory_space<vmem>> -> memref<128xi32, #tpu.memory_space<vmem>>
    %dma_start3A_39 = arith.constant 0 : i32
    %dma_start3A_40 = arith.constant 0 : i32
    %dma_start3A_41 = tpu.memref_slice %arg4[%dma_start3A_39, %dma_start3A_40] : memref<1000x64xf32, #tpu.memory_space<hbm>> -> memref<1000x64xf32, #tpu.memory_space<hbm>>
    tpu.enqueue_indirect_dma source(%dma_start3A_41 : memref<1000x64xf32, #tpu.memory_space<hbm>>) target(%dma_start3A_35 : memref<128x64xf32, #tpu.memory_space<vmem>>) offsets(%dma_start3A_38 : memref<128xi32, #tpu.memory_space<vmem>>) semaphore(%arg10 : memref<!tpu.dma_semaphore, #tpu.memory_space<semaphore_mem>>)
    %dma_start3A_42 = arith.constant 1 : i32
    %dma_start3A_43 = arith.constant 1 : i32
    %dma_start3A_44 = arith.constant 1 : i32
    %dma_start3A_45 = arith.constant 0 : i32
    %dma_start3A_46 = arith.constant 0 : i32
    %dma_start3A_47 = tpu.memref_slice %arg9[%dma_start3A_44, %dma_start3A_45, %dma_start3A_46] : memref<2x128x64xf32, #tpu.memory_space<vmem>> -> memref<1x128x64xf32, #tpu.memory_space<vmem>>
    %dma_start3A_48 = tpu.memref_squeeze %dma_start3A_47 : memref<1x128x64xf32, #tpu.memory_space<vmem>> -> memref<128x64xf32, #tpu.memory_space<vmem>>
    %dma_start3A_49 = arith.constant 0 : i32
    %dma_start3A_50 = tpu.memref_slice %arg7[%dma_start3A_42, %dma_start3A_43, %dma_start3A_49] : memref<2x4x128xi32, #tpu.memory_space<vmem>> -> memref<1x1x128xi32, #tpu.memory_space<vmem>>
    %dma_start3A_51 = tpu.memref_squeeze %dma_start3A_50 : memref<1x1x128xi32, #tpu.memory_space<vmem>> -> memref<128xi32, #tpu.memory_space<vmem>>
    %dma_start3A_52 = arith.constant 0 : i32
    %dma_start3A_53 = arith.constant 0 : i32
    %dma_start3A_54 = tpu.memref_slice %arg5[%dma_start3A_52, %dma_start3A_53] : memref<100000x64xf32, #tpu.memory_space<hbm>> -> memref<100000x64xf32, #tpu.memory_space<hbm>>
    tpu.enqueue_indirect_dma source(%dma_start3A_54 : memref<100000x64xf32, #tpu.memory_space<hbm>>) target(%dma_start3A_48 : memref<128x64xf32, #tpu.memory_space<vmem>>) offsets(%dma_start3A_51 : memref<128xi32, #tpu.memory_space<vmem>>) semaphore(%arg10 : memref<!tpu.dma_semaphore, #tpu.memory_space<semaphore_mem>>)
    %dma_wait3A = arith.constant 0 : i32
    %dma_wait3A_55 = arith.constant 0 : i32
    %dma_wait3A_56 = arith.constant 0 : i32
    %dma_wait3A_57 = arith.constant 0 : i32
    %dma_wait3A_58 = arith.constant 0 : i32
    %dma_wait3A_59 = tpu.memref_slice %arg8[%dma_wait3A_56, %dma_wait3A_57, %dma_wait3A_58] : memref<2x128x64xf32, #tpu.memory_space<vmem>> -> memref<1x128x64xf32, #tpu.memory_space<vmem>>
    %dma_wait3A_60 = tpu.memref_squeeze %dma_wait3A_59 : memref<1x128x64xf32, #tpu.memory_space<vmem>> -> memref<128x64xf32, #tpu.memory_space<vmem>>
    %dma_wait3A_61 = arith.constant 0 : i32
    %dma_wait3A_62 = tpu.memref_slice %arg7[%dma_wait3A, %dma_wait3A_55, %dma_wait3A_61] : memref<2x4x128xi32, #tpu.memory_space<vmem>> -> memref<1x1x128xi32, #tpu.memory_space<vmem>>
    %dma_wait3A_63 = tpu.memref_squeeze %dma_wait3A_62 : memref<1x1x128xi32, #tpu.memory_space<vmem>> -> memref<128xi32, #tpu.memory_space<vmem>>
    %dma_wait3A_64 = arith.constant 0 : i32
    %dma_wait3A_65 = arith.constant 0 : i32
    %dma_wait3A_66 = tpu.memref_slice %arg4[%dma_wait3A_64, %dma_wait3A_65] : memref<1000x64xf32, #tpu.memory_space<hbm>> -> memref<1000x64xf32, #tpu.memory_space<hbm>>
    tpu.wait_indirect_dma semaphore(%arg10 : memref<!tpu.dma_semaphore, #tpu.memory_space<semaphore_mem>>) src(%dma_wait3A_66 : memref<1000x64xf32, #tpu.memory_space<hbm>>) dst(%dma_wait3A_60 : memref<128x64xf32, #tpu.memory_space<vmem>>)
    %dma_wait3A_67 = arith.constant 1 : i32
    %dma_wait3A_68 = arith.constant 0 : i32
    %dma_wait3A_69 = arith.constant 0 : i32
    %dma_wait3A_70 = arith.constant 0 : i32
    %dma_wait3A_71 = arith.constant 0 : i32
    %dma_wait3A_72 = tpu.memref_slice %arg9[%dma_wait3A_69, %dma_wait3A_70, %dma_wait3A_71] : memref<2x128x64xf32, #tpu.memory_space<vmem>> -> memref<1x128x64xf32, #tpu.memory_space<vmem>>
    %dma_wait3A_73 = tpu.memref_squeeze %dma_wait3A_72 : memref<1x128x64xf32, #tpu.memory_space<vmem>> -> memref<128x64xf32, #tpu.memory_space<vmem>>
    %dma_wait3A_74 = arith.constant 0 : i32
    %dma_wait3A_75 = tpu.memref_slice %arg7[%dma_wait3A_67, %dma_wait3A_68, %dma_wait3A_74] : memref<2x4x128xi32, #tpu.memory_space<vmem>> -> memref<1x1x128xi32, #tpu.memory_space<vmem>>
    %dma_wait3A_76 = tpu.memref_squeeze %dma_wait3A_75 : memref<1x1x128xi32, #tpu.memory_space<vmem>> -> memref<128xi32, #tpu.memory_space<vmem>>
    %dma_wait3A_77 = arith.constant 0 : i32
    %dma_wait3A_78 = arith.constant 0 : i32
    %dma_wait3A_79 = tpu.memref_slice %arg5[%dma_wait3A_77, %dma_wait3A_78] : memref<100000x64xf32, #tpu.memory_space<hbm>> -> memref<100000x64xf32, #tpu.memory_space<hbm>>
    tpu.wait_indirect_dma semaphore(%arg10 : memref<!tpu.dma_semaphore, #tpu.memory_space<semaphore_mem>>) src(%dma_wait3A_79 : memref<100000x64xf32, #tpu.memory_space<hbm>>) dst(%dma_wait3A_73 : memref<128x64xf32, #tpu.memory_space<vmem>>)
    %add3A_80 = arith.constant 0 : i32
    %add3A_81 = arith.addi %mul3A_2, %add3A_80 : i32
    %dma_start3A_82 = arith.constant 0 : i32
    %dma_start3A_83 = arith.constant 0 : i32
    %dma_start3A_84 = arith.constant 0 : i32
    %dma_start3A_85 = tpu.memref_slice %arg8[%dma_start3A_82, %dma_start3A_83, %dma_start3A_84] : memref<2x128x64xf32, #tpu.memory_space<vmem>> -> memref<1x128x64xf32, #tpu.memory_space<vmem>>
    %dma_start3A_86 = tpu.memref_squeeze %dma_start3A_85 : memref<1x128x64xf32, #tpu.memory_space<vmem>> -> memref<128x64xf32, #tpu.memory_space<vmem>>
    %dma_start3A_87 = arith.constant 0 : i32
    %dma_start3A_88 = tpu.memref_slice %arg6[%add3A_81, %dma_start3A_87] : memref<16384x128xf32, #tpu.memory_space<hbm>> -> memref<128x128xf32, #tpu.memory_space<hbm>>
    %dma_start3A_89 = arith.constant 0 : i32
    %dma_start3A_90 = arith.constant 0 : i32
    %dma_start3A_91 = tpu.memref_slice %dma_start3A_88[%dma_start3A_89, %dma_start3A_90] : memref<128x128xf32, #tpu.memory_space<hbm>> -> memref<128x64xf32, #tpu.memory_space<hbm>>
    %dma_start3A_92 = arith.constant 0 : i32
    %dma_start3A_93 = tpu.memref_slice %arg6[%add3A_81, %dma_start3A_92] : memref<16384x128xf32, #tpu.memory_space<hbm>> -> memref<128x128xf32, #tpu.memory_space<hbm>>
    %dma_start3A_94 = arith.constant 0 : i32
    %dma_start3A_95 = arith.constant 0 : i32
    %dma_start3A_96 = tpu.memref_slice %dma_start3A_93[%dma_start3A_94, %dma_start3A_95] : memref<128x128xf32, #tpu.memory_space<hbm>> -> memref<128x64xf32, #tpu.memory_space<hbm>>
    %dma_start3A_97 = arith.constant 0 : i32
    %dma_start3A_98 = arith.constant 0 : i32
    %dma_start3A_99 = tpu.memref_slice %arg8[%dma_start3A_82, %dma_start3A_97, %dma_start3A_98] : memref<2x128x64xf32, #tpu.memory_space<vmem>> -> memref<1x128x64xf32, #tpu.memory_space<vmem>>
    %dma_start3A_100 = tpu.memref_squeeze %dma_start3A_99 : memref<1x128x64xf32, #tpu.memory_space<vmem>> -> memref<128x64xf32, #tpu.memory_space<vmem>>
    tpu.enqueue_dma source(%dma_start3A_100 : memref<128x64xf32, #tpu.memory_space<vmem>>) target(%dma_start3A_96 : memref<128x64xf32, #tpu.memory_space<hbm>>) target_semaphore(%arg11 : memref<!tpu.dma_semaphore, #tpu.memory_space<semaphore_mem>>)
    %dma_start3A_101 = arith.constant 0 : i32
    %dma_start3A_102 = arith.constant 0 : i32
    %dma_start3A_103 = arith.constant 0 : i32
    %dma_start3A_104 = tpu.memref_slice %arg9[%dma_start3A_101, %dma_start3A_102, %dma_start3A_103] : memref<2x128x64xf32, #tpu.memory_space<vmem>> -> memref<1x128x64xf32, #tpu.memory_space<vmem>>
    %dma_start3A_105 = tpu.memref_squeeze %dma_start3A_104 : memref<1x128x64xf32, #tpu.memory_space<vmem>> -> memref<128x64xf32, #tpu.memory_space<vmem>>
    %dma_start3A_106 = arith.constant 0 : i32
    %dma_start3A_107 = tpu.memref_slice %arg6[%add3A_81, %dma_start3A_106] : memref<16384x128xf32, #tpu.memory_space<hbm>> -> memref<128x128xf32, #tpu.memory_space<hbm>>
    %dma_start3A_108 = arith.constant 0 : i32
    %dma_start3A_109 = arith.constant 64 : i32
    %dma_start3A_110 = tpu.memref_slice %dma_start3A_107[%dma_start3A_108, %dma_start3A_109] : memref<128x128xf32, #tpu.memory_space<hbm>> -> memref<128x64xf32, #tpu.memory_space<hbm>>
    %dma_start3A_111 = arith.constant 0 : i32
    %dma_start3A_112 = tpu.memref_slice %arg6[%add3A_81, %dma_start3A_111] : memref<16384x128xf32, #tpu.memory_space<hbm>> -> memref<128x128xf32, #tpu.memory_space<hbm>>
    %dma_start3A_113 = arith.constant 0 : i32
    %dma_start3A_114 = arith.constant 64 : i32
    %dma_start3A_115 = tpu.memref_slice %dma_start3A_112[%dma_start3A_113, %dma_start3A_114] : memref<128x128xf32, #tpu.memory_space<hbm>> -> memref<128x64xf32, #tpu.memory_space<hbm>>
    %dma_start3A_116 = arith.constant 0 : i32
    %dma_start3A_117 = arith.constant 0 : i32
    %dma_start3A_118 = tpu.memref_slice %arg9[%dma_start3A_101, %dma_start3A_116, %dma_start3A_117] : memref<2x128x64xf32, #tpu.memory_space<vmem>> -> memref<1x128x64xf32, #tpu.memory_space<vmem>>
    %dma_start3A_119 = tpu.memref_squeeze %dma_start3A_118 : memref<1x128x64xf32, #tpu.memory_space<vmem>> -> memref<128x64xf32, #tpu.memory_space<vmem>>
    tpu.enqueue_dma source(%dma_start3A_119 : memref<128x64xf32, #tpu.memory_space<vmem>>) target(%dma_start3A_115 : memref<128x64xf32, #tpu.memory_space<hbm>>) target_semaphore(%arg11 : memref<!tpu.dma_semaphore, #tpu.memory_space<semaphore_mem>>)
    %dma_start3A_120 = arith.constant 0 : i32
    %dma_start3A_121 = arith.constant 2 : i32
    %dma_start3A_122 = arith.constant 0 : i32
    %dma_start3A_123 = arith.constant 0 : i32
    %dma_start3A_124 = arith.constant 0 : i32
    %dma_start3A_125 = tpu.memref_slice %arg8[%dma_start3A_122, %dma_start3A_123, %dma_start3A_124] : memref<2x128x64xf32, #tpu.memory_space<vmem>> -> memref<1x128x64xf32, #tpu.memory_space<vmem>>
    %dma_start3A_126 = tpu.memref_squeeze %dma_start3A_125 : memref<1x128x64xf32, #tpu.memory_space<vmem>> -> memref<128x64xf32, #tpu.memory_space<vmem>>
    %dma_start3A_127 = arith.constant 0 : i32
    %dma_start3A_128 = tpu.memref_slice %arg7[%dma_start3A_120, %dma_start3A_121, %dma_start3A_127] : memref<2x4x128xi32, #tpu.memory_space<vmem>> -> memref<1x1x128xi32, #tpu.memory_space<vmem>>
    %dma_start3A_129 = tpu.memref_squeeze %dma_start3A_128 : memref<1x1x128xi32, #tpu.memory_space<vmem>> -> memref<128xi32, #tpu.memory_space<vmem>>
    %dma_start3A_130 = arith.constant 0 : i32
    %dma_start3A_131 = arith.constant 0 : i32
    %dma_start3A_132 = tpu.memref_slice %arg4[%dma_start3A_130, %dma_start3A_131] : memref<1000x64xf32, #tpu.memory_space<hbm>> -> memref<1000x64xf32, #tpu.memory_space<hbm>>
    tpu.enqueue_indirect_dma source(%dma_start3A_132 : memref<1000x64xf32, #tpu.memory_space<hbm>>) target(%dma_start3A_126 : memref<128x64xf32, #tpu.memory_space<vmem>>) offsets(%dma_start3A_129 : memref<128xi32, #tpu.memory_space<vmem>>) semaphore(%arg10 : memref<!tpu.dma_semaphore, #tpu.memory_space<semaphore_mem>>)
    %dma_start3A_133 = arith.constant 1 : i32
    %dma_start3A_134 = arith.constant 2 : i32
    %dma_start3A_135 = arith.constant 0 : i32
    %dma_start3A_136 = arith.constant 0 : i32
    %dma_start3A_137 = arith.constant 0 : i32
    %dma_start3A_138 = tpu.memref_slice %arg9[%dma_start3A_135, %dma_start3A_136, %dma_start3A_137] : memref<2x128x64xf32, #tpu.memory_space<vmem>> -> memref<1x128x64xf32, #tpu.memory_space<vmem>>
    %dma_start3A_139 = tpu.memref_squeeze %dma_start3A_138 : memref<1x128x64xf32, #tpu.memory_space<vmem>> -> memref<128x64xf32, #tpu.memory_space<vmem>>
    %dma_start3A_140 = arith.constant 0 : i32
    %dma_start3A_141 = tpu.memref_slice %arg7[%dma_start3A_133, %dma_start3A_134, %dma_start3A_140] : memref<2x4x128xi32, #tpu.memory_space<vmem>> -> memref<1x1x128xi32, #tpu.memory_space<vmem>>
    %dma_start3A_142 = tpu.memref_squeeze %dma_start3A_141 : memref<1x1x128xi32, #tpu.memory_space<vmem>> -> memref<128xi32, #tpu.memory_space<vmem>>
    %dma_start3A_143 = arith.constant 0 : i32
    %dma_start3A_144 = arith.constant 0 : i32
    %dma_start3A_145 = tpu.memref_slice %arg5[%dma_start3A_143, %dma_start3A_144] : memref<100000x64xf32, #tpu.memory_space<hbm>> -> memref<100000x64xf32, #tpu.memory_space<hbm>>
    tpu.enqueue_indirect_dma source(%dma_start3A_145 : memref<100000x64xf32, #tpu.memory_space<hbm>>) target(%dma_start3A_139 : memref<128x64xf32, #tpu.memory_space<vmem>>) offsets(%dma_start3A_142 : memref<128xi32, #tpu.memory_space<vmem>>) semaphore(%arg10 : memref<!tpu.dma_semaphore, #tpu.memory_space<semaphore_mem>>)
    %dma_wait3A_146 = arith.constant 0 : i32
    %dma_wait3A_147 = arith.constant 1 : i32
    %dma_wait3A_148 = arith.constant 1 : i32
    %dma_wait3A_149 = arith.constant 0 : i32
    %dma_wait3A_150 = arith.constant 0 : i32
    %dma_wait3A_151 = tpu.memref_slice %arg8[%dma_wait3A_148, %dma_wait3A_149, %dma_wait3A_150] : memref<2x128x64xf32, #tpu.memory_space<vmem>> -> memref<1x128x64xf32, #tpu.memory_space<vmem>>
    %dma_wait3A_152 = tpu.memref_squeeze %dma_wait3A_151 : memref<1x128x64xf32, #tpu.memory_space<vmem>> -> memref<128x64xf32, #tpu.memory_space<vmem>>
    %dma_wait3A_153 = arith.constant 0 : i32
    %dma_wait3A_154 = tpu.memref_slice %arg7[%dma_wait3A_146, %dma_wait3A_147, %dma_wait3A_153] : memref<2x4x128xi32, #tpu.memory_space<vmem>> -> memref<1x1x128xi32, #tpu.memory_space<vmem>>
    %dma_wait3A_155 = tpu.memref_squeeze %dma_wait3A_154 : memref<1x1x128xi32, #tpu.memory_space<vmem>> -> memref<128xi32, #tpu.memory_space<vmem>>
    %dma_wait3A_156 = arith.constant 0 : i32
    %dma_wait3A_157 = arith.constant 0 : i32
    %dma_wait3A_158 = tpu.memref_slice %arg4[%dma_wait3A_156, %dma_wait3A_157] : memref<1000x64xf32, #tpu.memory_space<hbm>> -> memref<1000x64xf32, #tpu.memory_space<hbm>>
    tpu.wait_indirect_dma semaphore(%arg10 : memref<!tpu.dma_semaphore, #tpu.memory_space<semaphore_mem>>) src(%dma_wait3A_158 : memref<1000x64xf32, #tpu.memory_space<hbm>>) dst(%dma_wait3A_152 : memref<128x64xf32, #tpu.memory_space<vmem>>)
    %dma_wait3A_159 = arith.constant 1 : i32
    %dma_wait3A_160 = arith.constant 1 : i32
    %dma_wait3A_161 = arith.constant 1 : i32
    %dma_wait3A_162 = arith.constant 0 : i32
    %dma_wait3A_163 = arith.constant 0 : i32
    %dma_wait3A_164 = tpu.memref_slice %arg9[%dma_wait3A_161, %dma_wait3A_162, %dma_wait3A_163] : memref<2x128x64xf32, #tpu.memory_space<vmem>> -> memref<1x128x64xf32, #tpu.memory_space<vmem>>
    %dma_wait3A_165 = tpu.memref_squeeze %dma_wait3A_164 : memref<1x128x64xf32, #tpu.memory_space<vmem>> -> memref<128x64xf32, #tpu.memory_space<vmem>>
    %dma_wait3A_166 = arith.constant 0 : i32
    %dma_wait3A_167 = tpu.memref_slice %arg7[%dma_wait3A_159, %dma_wait3A_160, %dma_wait3A_166] : memref<2x4x128xi32, #tpu.memory_space<vmem>> -> memref<1x1x128xi32, #tpu.memory_space<vmem>>
    %dma_wait3A_168 = tpu.memref_squeeze %dma_wait3A_167 : memref<1x1x128xi32, #tpu.memory_space<vmem>> -> memref<128xi32, #tpu.memory_space<vmem>>
    %dma_wait3A_169 = arith.constant 0 : i32
    %dma_wait3A_170 = arith.constant 0 : i32
    %dma_wait3A_171 = tpu.memref_slice %arg5[%dma_wait3A_169, %dma_wait3A_170] : memref<100000x64xf32, #tpu.memory_space<hbm>> -> memref<100000x64xf32, #tpu.memory_space<hbm>>
    tpu.wait_indirect_dma semaphore(%arg10 : memref<!tpu.dma_semaphore, #tpu.memory_space<semaphore_mem>>) src(%dma_wait3A_171 : memref<100000x64xf32, #tpu.memory_space<hbm>>) dst(%dma_wait3A_165 : memref<128x64xf32, #tpu.memory_space<vmem>>)
    %dma_wait3A_172 = arith.constant 0 : i32
    %dma_wait3A_173 = arith.constant 0 : i32
    %dma_wait3A_174 = arith.constant 0 : i32
    %dma_wait3A_175 = tpu.memref_slice %arg8[%dma_wait3A_172, %dma_wait3A_173, %dma_wait3A_174] : memref<2x128x64xf32, #tpu.memory_space<vmem>> -> memref<1x128x64xf32, #tpu.memory_space<vmem>>
    %dma_wait3A_176 = tpu.memref_squeeze %dma_wait3A_175 : memref<1x128x64xf32, #tpu.memory_space<vmem>> -> memref<128x64xf32, #tpu.memory_space<vmem>>
    %dma_wait3A_177 = arith.constant 0 : i32
    %dma_wait3A_178 = tpu.memref_slice %arg6[%add3A_81, %dma_wait3A_177] : memref<16384x128xf32, #tpu.memory_space<hbm>> -> memref<128x128xf32, #tpu.memory_space<hbm>>
    %dma_wait3A_179 = arith.constant 0 : i32
    %dma_wait3A_180 = arith.constant 0 : i32
    %dma_wait3A_181 = tpu.memref_slice %dma_wait3A_178[%dma_wait3A_179, %dma_wait3A_180] : memref<128x128xf32, #tpu.memory_space<hbm>> -> memref<128x64xf32, #tpu.memory_space<hbm>>
    %dma_wait3A_182 = arith.constant 0 : i32
    %dma_wait3A_183 = tpu.memref_slice %arg6[%add3A_81, %dma_wait3A_182] : memref<16384x128xf32, #tpu.memory_space<hbm>> -> memref<128x128xf32, #tpu.memory_space<hbm>>
    %dma_wait3A_184 = arith.constant 0 : i32
    %dma_wait3A_185 = arith.constant 0 : i32
    %dma_wait3A_186 = tpu.memref_slice %dma_wait3A_183[%dma_wait3A_184, %dma_wait3A_185] : memref<128x128xf32, #tpu.memory_space<hbm>> -> memref<128x64xf32, #tpu.memory_space<hbm>>
    %dma_wait3A_187 = arith.constant 0 : i32
    %dma_wait3A_188 = arith.constant 0 : i32
    %dma_wait3A_189 = tpu.memref_slice %arg8[%dma_wait3A_172, %dma_wait3A_187, %dma_wait3A_188] : memref<2x128x64xf32, #tpu.memory_space<vmem>> -> memref<1x128x64xf32, #tpu.memory_space<vmem>>
    %dma_wait3A_190 = tpu.memref_squeeze %dma_wait3A_189 : memref<1x128x64xf32, #tpu.memory_space<vmem>> -> memref<128x64xf32, #tpu.memory_space<vmem>>
    tpu.wait_dma2 semaphore(%arg11 : memref<!tpu.dma_semaphore, #tpu.memory_space<semaphore_mem>>) src(%dma_wait3A_190 : memref<128x64xf32, #tpu.memory_space<vmem>>) dst(%dma_wait3A_186 : memref<128x64xf32, #tpu.memory_space<hbm>>)
    %dma_wait3A_191 = arith.constant 0 : i32
    %dma_wait3A_192 = arith.constant 0 : i32
    %dma_wait3A_193 = arith.constant 0 : i32
    %dma_wait3A_194 = tpu.memref_slice %arg9[%dma_wait3A_191, %dma_wait3A_192, %dma_wait3A_193] : memref<2x128x64xf32, #tpu.memory_space<vmem>> -> memref<1x128x64xf32, #tpu.memory_space<vmem>>
    %dma_wait3A_195 = tpu.memref_squeeze %dma_wait3A_194 : memref<1x128x64xf32, #tpu.memory_space<vmem>> -> memref<128x64xf32, #tpu.memory_space<vmem>>
    %dma_wait3A_196 = arith.constant 0 : i32
    %dma_wait3A_197 = tpu.memref_slice %arg6[%add3A_81, %dma_wait3A_196] : memref<16384x128xf32, #tpu.memory_space<hbm>> -> memref<128x128xf32, #tpu.memory_space<hbm>>
    %dma_wait3A_198 = arith.constant 0 : i32
    %dma_wait3A_199 = arith.constant 64 : i32
    %dma_wait3A_200 = tpu.memref_slice %dma_wait3A_197[%dma_wait3A_198, %dma_wait3A_199] : memref<128x128xf32, #tpu.memory_space<hbm>> -> memref<128x64xf32, #tpu.memory_space<hbm>>
    %dma_wait3A_201 = arith.constant 0 : i32
    %dma_wait3A_202 = tpu.memref_slice %arg6[%add3A_81, %dma_wait3A_201] : memref<16384x128xf32, #tpu.memory_space<hbm>> -> memref<128x128xf32, #tpu.memory_space<hbm>>
    %dma_wait3A_203 = arith.constant 0 : i32
    %dma_wait3A_204 = arith.constant 64 : i32
    %dma_wait3A_205 = tpu.memref_slice %dma_wait3A_202[%dma_wait3A_203, %dma_wait3A_204] : memref<128x128xf32, #tpu.memory_space<hbm>> -> memref<128x64xf32, #tpu.memory_space<hbm>>
    %dma_wait3A_206 = arith.constant 0 : i32
    %dma_wait3A_207 = arith.constant 0 : i32
    %dma_wait3A_208 = tpu.memref_slice %arg9[%dma_wait3A_191, %dma_wait3A_206, %dma_wait3A_207] : memref<2x128x64xf32, #tpu.memory_space<vmem>> -> memref<1x128x64xf32, #tpu.memory_space<vmem>>
    %dma_wait3A_209 = tpu.memref_squeeze %dma_wait3A_208 : memref<1x128x64xf32, #tpu.memory_space<vmem>> -> memref<128x64xf32, #tpu.memory_space<vmem>>
    tpu.wait_dma2 semaphore(%arg11 : memref<!tpu.dma_semaphore, #tpu.memory_space<semaphore_mem>>) src(%dma_wait3A_209 : memref<128x64xf32, #tpu.memory_space<vmem>>) dst(%dma_wait3A_205 : memref<128x64xf32, #tpu.memory_space<hbm>>)
    %add3A_210 = arith.constant 128 : i32
    %add3A_211 = arith.addi %mul3A_2, %add3A_210 : i32
    %dma_start3A_212 = arith.constant 1 : i32
    %dma_start3A_213 = arith.constant 0 : i32
    %dma_start3A_214 = arith.constant 0 : i32
    %dma_start3A_215 = tpu.memref_slice %arg8[%dma_start3A_212, %dma_start3A_213, %dma_start3A_214] : memref<2x128x64xf32, #tpu.memory_space<vmem>> -> memref<1x128x64xf32, #tpu.memory_space<vmem>>
    %dma_start3A_216 = tpu.memref_squeeze %dma_start3A_215 : memref<1x128x64xf32, #tpu.memory_space<vmem>> -> memref<128x64xf32, #tpu.memory_space<vmem>>
    %dma_start3A_217 = arith.constant 0 : i32
    %dma_start3A_218 = tpu.memref_slice %arg6[%add3A_211, %dma_start3A_217] : memref<16384x128xf32, #tpu.memory_space<hbm>> -> memref<128x128xf32, #tpu.memory_space<hbm>>
    %dma_start3A_219 = arith.constant 0 : i32
    %dma_start3A_220 = arith.constant 0 : i32
    %dma_start3A_221 = tpu.memref_slice %dma_start3A_218[%dma_start3A_219, %dma_start3A_220] : memref<128x128xf32, #tpu.memory_space<hbm>> -> memref<128x64xf32, #tpu.memory_space<hbm>>
    %dma_start3A_222 = arith.constant 0 : i32
    %dma_start3A_223 = tpu.memref_slice %arg6[%add3A_211, %dma_start3A_222] : memref<16384x128xf32, #tpu.memory_space<hbm>> -> memref<128x128xf32, #tpu.memory_space<hbm>>
    %dma_start3A_224 = arith.constant 0 : i32
    %dma_start3A_225 = arith.constant 0 : i32
    %dma_start3A_226 = tpu.memref_slice %dma_start3A_223[%dma_start3A_224, %dma_start3A_225] : memref<128x128xf32, #tpu.memory_space<hbm>> -> memref<128x64xf32, #tpu.memory_space<hbm>>
    %dma_start3A_227 = arith.constant 0 : i32
    %dma_start3A_228 = arith.constant 0 : i32
    %dma_start3A_229 = tpu.memref_slice %arg8[%dma_start3A_212, %dma_start3A_227, %dma_start3A_228] : memref<2x128x64xf32, #tpu.memory_space<vmem>> -> memref<1x128x64xf32, #tpu.memory_space<vmem>>
    %dma_start3A_230 = tpu.memref_squeeze %dma_start3A_229 : memref<1x128x64xf32, #tpu.memory_space<vmem>> -> memref<128x64xf32, #tpu.memory_space<vmem>>
    tpu.enqueue_dma source(%dma_start3A_230 : memref<128x64xf32, #tpu.memory_space<vmem>>) target(%dma_start3A_226 : memref<128x64xf32, #tpu.memory_space<hbm>>) target_semaphore(%arg11 : memref<!tpu.dma_semaphore, #tpu.memory_space<semaphore_mem>>)
    %dma_start3A_231 = arith.constant 1 : i32
    %dma_start3A_232 = arith.constant 0 : i32
    %dma_start3A_233 = arith.constant 0 : i32
    %dma_start3A_234 = tpu.memref_slice %arg9[%dma_start3A_231, %dma_start3A_232, %dma_start3A_233] : memref<2x128x64xf32, #tpu.memory_space<vmem>> -> memref<1x128x64xf32, #tpu.memory_space<vmem>>
    %dma_start3A_235 = tpu.memref_squeeze %dma_start3A_234 : memref<1x128x64xf32, #tpu.memory_space<vmem>> -> memref<128x64xf32, #tpu.memory_space<vmem>>
    %dma_start3A_236 = arith.constant 0 : i32
    %dma_start3A_237 = tpu.memref_slice %arg6[%add3A_211, %dma_start3A_236] : memref<16384x128xf32, #tpu.memory_space<hbm>> -> memref<128x128xf32, #tpu.memory_space<hbm>>
    %dma_start3A_238 = arith.constant 0 : i32
    %dma_start3A_239 = arith.constant 64 : i32
    %dma_start3A_240 = tpu.memref_slice %dma_start3A_237[%dma_start3A_238, %dma_start3A_239] : memref<128x128xf32, #tpu.memory_space<hbm>> -> memref<128x64xf32, #tpu.memory_space<hbm>>
    %dma_start3A_241 = arith.constant 0 : i32
    %dma_start3A_242 = tpu.memref_slice %arg6[%add3A_211, %dma_start3A_241] : memref<16384x128xf32, #tpu.memory_space<hbm>> -> memref<128x128xf32, #tpu.memory_space<hbm>>
    %dma_start3A_243 = arith.constant 0 : i32
    %dma_start3A_244 = arith.constant 64 : i32
    %dma_start3A_245 = tpu.memref_slice %dma_start3A_242[%dma_start3A_243, %dma_start3A_244] : memref<128x128xf32, #tpu.memory_space<hbm>> -> memref<128x64xf32, #tpu.memory_space<hbm>>
    %dma_start3A_246 = arith.constant 0 : i32
    %dma_start3A_247 = arith.constant 0 : i32
    %dma_start3A_248 = tpu.memref_slice %arg9[%dma_start3A_231, %dma_start3A_246, %dma_start3A_247] : memref<2x128x64xf32, #tpu.memory_space<vmem>> -> memref<1x128x64xf32, #tpu.memory_space<vmem>>
    %dma_start3A_249 = tpu.memref_squeeze %dma_start3A_248 : memref<1x128x64xf32, #tpu.memory_space<vmem>> -> memref<128x64xf32, #tpu.memory_space<vmem>>
    tpu.enqueue_dma source(%dma_start3A_249 : memref<128x64xf32, #tpu.memory_space<vmem>>) target(%dma_start3A_245 : memref<128x64xf32, #tpu.memory_space<hbm>>) target_semaphore(%arg11 : memref<!tpu.dma_semaphore, #tpu.memory_space<semaphore_mem>>)
    %dma_start3A_250 = arith.constant 0 : i32
    %dma_start3A_251 = arith.constant 3 : i32
    %dma_start3A_252 = arith.constant 1 : i32
    %dma_start3A_253 = arith.constant 0 : i32
    %dma_start3A_254 = arith.constant 0 : i32
    %dma_start3A_255 = tpu.memref_slice %arg8[%dma_start3A_252, %dma_start3A_253, %dma_start3A_254] : memref<2x128x64xf32, #tpu.memory_space<vmem>> -> memref<1x128x64xf32, #tpu.memory_space<vmem>>
    %dma_start3A_256 = tpu.memref_squeeze %dma_start3A_255 : memref<1x128x64xf32, #tpu.memory_space<vmem>> -> memref<128x64xf32, #tpu.memory_space<vmem>>
    %dma_start3A_257 = arith.constant 0 : i32
    %dma_start3A_258 = tpu.memref_slice %arg7[%dma_start3A_250, %dma_start3A_251, %dma_start3A_257] : memref<2x4x128xi32, #tpu.memory_space<vmem>> -> memref<1x1x128xi32, #tpu.memory_space<vmem>>
    %dma_start3A_259 = tpu.memref_squeeze %dma_start3A_258 : memref<1x1x128xi32, #tpu.memory_space<vmem>> -> memref<128xi32, #tpu.memory_space<vmem>>
    %dma_start3A_260 = arith.constant 0 : i32
    %dma_start3A_261 = arith.constant 0 : i32
    %dma_start3A_262 = tpu.memref_slice %arg4[%dma_start3A_260, %dma_start3A_261] : memref<1000x64xf32, #tpu.memory_space<hbm>> -> memref<1000x64xf32, #tpu.memory_space<hbm>>
    tpu.enqueue_indirect_dma source(%dma_start3A_262 : memref<1000x64xf32, #tpu.memory_space<hbm>>) target(%dma_start3A_256 : memref<128x64xf32, #tpu.memory_space<vmem>>) offsets(%dma_start3A_259 : memref<128xi32, #tpu.memory_space<vmem>>) semaphore(%arg10 : memref<!tpu.dma_semaphore, #tpu.memory_space<semaphore_mem>>)
    %dma_start3A_263 = arith.constant 1 : i32
    %dma_start3A_264 = arith.constant 3 : i32
    %dma_start3A_265 = arith.constant 1 : i32
    %dma_start3A_266 = arith.constant 0 : i32
    %dma_start3A_267 = arith.constant 0 : i32
    %dma_start3A_268 = tpu.memref_slice %arg9[%dma_start3A_265, %dma_start3A_266, %dma_start3A_267] : memref<2x128x64xf32, #tpu.memory_space<vmem>> -> memref<1x128x64xf32, #tpu.memory_space<vmem>>
    %dma_start3A_269 = tpu.memref_squeeze %dma_start3A_268 : memref<1x128x64xf32, #tpu.memory_space<vmem>> -> memref<128x64xf32, #tpu.memory_space<vmem>>
    %dma_start3A_270 = arith.constant 0 : i32
    %dma_start3A_271 = tpu.memref_slice %arg7[%dma_start3A_263, %dma_start3A_264, %dma_start3A_270] : memref<2x4x128xi32, #tpu.memory_space<vmem>> -> memref<1x1x128xi32, #tpu.memory_space<vmem>>
    %dma_start3A_272 = tpu.memref_squeeze %dma_start3A_271 : memref<1x1x128xi32, #tpu.memory_space<vmem>> -> memref<128xi32, #tpu.memory_space<vmem>>
    %dma_start3A_273 = arith.constant 0 : i32
    %dma_start3A_274 = arith.constant 0 : i32
    %dma_start3A_275 = tpu.memref_slice %arg5[%dma_start3A_273, %dma_start3A_274] : memref<100000x64xf32, #tpu.memory_space<hbm>> -> memref<100000x64xf32, #tpu.memory_space<hbm>>
    tpu.enqueue_indirect_dma source(%dma_start3A_275 : memref<100000x64xf32, #tpu.memory_space<hbm>>) target(%dma_start3A_269 : memref<128x64xf32, #tpu.memory_space<vmem>>) offsets(%dma_start3A_272 : memref<128xi32, #tpu.memory_space<vmem>>) semaphore(%arg10 : memref<!tpu.dma_semaphore, #tpu.memory_space<semaphore_mem>>)
    %dma_wait3A_276 = arith.constant 0 : i32
    %dma_wait3A_277 = arith.constant 2 : i32
    %dma_wait3A_278 = arith.constant 0 : i32
    %dma_wait3A_279 = arith.constant 0 : i32
    %dma_wait3A_280 = arith.constant 0 : i32
    %dma_wait3A_281 = tpu.memref_slice %arg8[%dma_wait3A_278, %dma_wait3A_279, %dma_wait3A_280] : memref<2x128x64xf32, #tpu.memory_space<vmem>> -> memref<1x128x64xf32, #tpu.memory_space<vmem>>
    %dma_wait3A_282 = tpu.memref_squeeze %dma_wait3A_281 : memref<1x128x64xf32, #tpu.memory_space<vmem>> -> memref<128x64xf32, #tpu.memory_space<vmem>>
    %dma_wait3A_283 = arith.constant 0 : i32
    %dma_wait3A_284 = tpu.memref_slice %arg7[%dma_wait3A_276, %dma_wait3A_277, %dma_wait3A_283] : memref<2x4x128xi32, #tpu.memory_space<vmem>> -> memref<1x1x128xi32, #tpu.memory_space<vmem>>
    %dma_wait3A_285 = tpu.memref_squeeze %dma_wait3A_284 : memref<1x1x128xi32, #tpu.memory_space<vmem>> -> memref<128xi32, #tpu.memory_space<vmem>>
    %dma_wait3A_286 = arith.constant 0 : i32
    %dma_wait3A_287 = arith.constant 0 : i32
    %dma_wait3A_288 = tpu.memref_slice %arg4[%dma_wait3A_286, %dma_wait3A_287] : memref<1000x64xf32, #tpu.memory_space<hbm>> -> memref<1000x64xf32, #tpu.memory_space<hbm>>
    tpu.wait_indirect_dma semaphore(%arg10 : memref<!tpu.dma_semaphore, #tpu.memory_space<semaphore_mem>>) src(%dma_wait3A_288 : memref<1000x64xf32, #tpu.memory_space<hbm>>) dst(%dma_wait3A_282 : memref<128x64xf32, #tpu.memory_space<vmem>>)
    %dma_wait3A_289 = arith.constant 1 : i32
    %dma_wait3A_290 = arith.constant 2 : i32
    %dma_wait3A_291 = arith.constant 0 : i32
    %dma_wait3A_292 = arith.constant 0 : i32
    %dma_wait3A_293 = arith.constant 0 : i32
    %dma_wait3A_294 = tpu.memref_slice %arg9[%dma_wait3A_291, %dma_wait3A_292, %dma_wait3A_293] : memref<2x128x64xf32, #tpu.memory_space<vmem>> -> memref<1x128x64xf32, #tpu.memory_space<vmem>>
    %dma_wait3A_295 = tpu.memref_squeeze %dma_wait3A_294 : memref<1x128x64xf32, #tpu.memory_space<vmem>> -> memref<128x64xf32, #tpu.memory_space<vmem>>
    %dma_wait3A_296 = arith.constant 0 : i32
    %dma_wait3A_297 = tpu.memref_slice %arg7[%dma_wait3A_289, %dma_wait3A_290, %dma_wait3A_296] : memref<2x4x128xi32, #tpu.memory_space<vmem>> -> memref<1x1x128xi32, #tpu.memory_space<vmem>>
    %dma_wait3A_298 = tpu.memref_squeeze %dma_wait3A_297 : memref<1x1x128xi32, #tpu.memory_space<vmem>> -> memref<128xi32, #tpu.memory_space<vmem>>
    %dma_wait3A_299 = arith.constant 0 : i32
    %dma_wait3A_300 = arith.constant 0 : i32
    %dma_wait3A_301 = tpu.memref_slice %arg5[%dma_wait3A_299, %dma_wait3A_300] : memref<100000x64xf32, #tpu.memory_space<hbm>> -> memref<100000x64xf32, #tpu.memory_space<hbm>>
    tpu.wait_indirect_dma semaphore(%arg10 : memref<!tpu.dma_semaphore, #tpu.memory_space<semaphore_mem>>) src(%dma_wait3A_301 : memref<100000x64xf32, #tpu.memory_space<hbm>>) dst(%dma_wait3A_295 : memref<128x64xf32, #tpu.memory_space<vmem>>)
    %dma_wait3A_302 = arith.constant 1 : i32
    %dma_wait3A_303 = arith.constant 0 : i32
    %dma_wait3A_304 = arith.constant 0 : i32
    %dma_wait3A_305 = tpu.memref_slice %arg8[%dma_wait3A_302, %dma_wait3A_303, %dma_wait3A_304] : memref<2x128x64xf32, #tpu.memory_space<vmem>> -> memref<1x128x64xf32, #tpu.memory_space<vmem>>
    %dma_wait3A_306 = tpu.memref_squeeze %dma_wait3A_305 : memref<1x128x64xf32, #tpu.memory_space<vmem>> -> memref<128x64xf32, #tpu.memory_space<vmem>>
    %dma_wait3A_307 = arith.constant 0 : i32
    %dma_wait3A_308 = tpu.memref_slice %arg6[%add3A_211, %dma_wait3A_307] : memref<16384x128xf32, #tpu.memory_space<hbm>> -> memref<128x128xf32, #tpu.memory_space<hbm>>
    %dma_wait3A_309 = arith.constant 0 : i32
    %dma_wait3A_310 = arith.constant 0 : i32
    %dma_wait3A_311 = tpu.memref_slice %dma_wait3A_308[%dma_wait3A_309, %dma_wait3A_310] : memref<128x128xf32, #tpu.memory_space<hbm>> -> memref<128x64xf32, #tpu.memory_space<hbm>>
    %dma_wait3A_312 = arith.constant 0 : i32
    %dma_wait3A_313 = tpu.memref_slice %arg6[%add3A_211, %dma_wait3A_312] : memref<16384x128xf32, #tpu.memory_space<hbm>> -> memref<128x128xf32, #tpu.memory_space<hbm>>
    %dma_wait3A_314 = arith.constant 0 : i32
    %dma_wait3A_315 = arith.constant 0 : i32
    %dma_wait3A_316 = tpu.memref_slice %dma_wait3A_313[%dma_wait3A_314, %dma_wait3A_315] : memref<128x128xf32, #tpu.memory_space<hbm>> -> memref<128x64xf32, #tpu.memory_space<hbm>>
    %dma_wait3A_317 = arith.constant 0 : i32
    %dma_wait3A_318 = arith.constant 0 : i32
    %dma_wait3A_319 = tpu.memref_slice %arg8[%dma_wait3A_302, %dma_wait3A_317, %dma_wait3A_318] : memref<2x128x64xf32, #tpu.memory_space<vmem>> -> memref<1x128x64xf32, #tpu.memory_space<vmem>>
    %dma_wait3A_320 = tpu.memref_squeeze %dma_wait3A_319 : memref<1x128x64xf32, #tpu.memory_space<vmem>> -> memref<128x64xf32, #tpu.memory_space<vmem>>
    tpu.wait_dma2 semaphore(%arg11 : memref<!tpu.dma_semaphore, #tpu.memory_space<semaphore_mem>>) src(%dma_wait3A_320 : memref<128x64xf32, #tpu.memory_space<vmem>>) dst(%dma_wait3A_316 : memref<128x64xf32, #tpu.memory_space<hbm>>)
    %dma_wait3A_321 = arith.constant 1 : i32
    %dma_wait3A_322 = arith.constant 0 : i32
    %dma_wait3A_323 = arith.constant 0 : i32
    %dma_wait3A_324 = tpu.memref_slice %arg9[%dma_wait3A_321, %dma_wait3A_322, %dma_wait3A_323] : memref<2x128x64xf32, #tpu.memory_space<vmem>> -> memref<1x128x64xf32, #tpu.memory_space<vmem>>
    %dma_wait3A_325 = tpu.memref_squeeze %dma_wait3A_324 : memref<1x128x64xf32, #tpu.memory_space<vmem>> -> memref<128x64xf32, #tpu.memory_space<vmem>>
    %dma_wait3A_326 = arith.constant 0 : i32
    %dma_wait3A_327 = tpu.memref_slice %arg6[%add3A_211, %dma_wait3A_326] : memref<16384x128xf32, #tpu.memory_space<hbm>> -> memref<128x128xf32, #tpu.memory_space<hbm>>
    %dma_wait3A_328 = arith.constant 0 : i32
    %dma_wait3A_329 = arith.constant 64 : i32
    %dma_wait3A_330 = tpu.memref_slice %dma_wait3A_327[%dma_wait3A_328, %dma_wait3A_329] : memref<128x128xf32, #tpu.memory_space<hbm>> -> memref<128x64xf32, #tpu.memory_space<hbm>>
    %dma_wait3A_331 = arith.constant 0 : i32
    %dma_wait3A_332 = tpu.memref_slice %arg6[%add3A_211, %dma_wait3A_331] : memref<16384x128xf32, #tpu.memory_space<hbm>> -> memref<128x128xf32, #tpu.memory_space<hbm>>
    %dma_wait3A_333 = arith.constant 0 : i32
    %dma_wait3A_334 = arith.constant 64 : i32
    %dma_wait3A_335 = tpu.memref_slice %dma_wait3A_332[%dma_wait3A_333, %dma_wait3A_334] : memref<128x128xf32, #tpu.memory_space<hbm>> -> memref<128x64xf32, #tpu.memory_space<hbm>>
    %dma_wait3A_336 = arith.constant 0 : i32
    %dma_wait3A_337 = arith.constant 0 : i32
    %dma_wait3A_338 = tpu.memref_slice %arg9[%dma_wait3A_321, %dma_wait3A_336, %dma_wait3A_337] : memref<2x128x64xf32, #tpu.memory_space<vmem>> -> memref<1x128x64xf32, #tpu.memory_space<vmem>>
    %dma_wait3A_339 = tpu.memref_squeeze %dma_wait3A_338 : memref<1x128x64xf32, #tpu.memory_space<vmem>> -> memref<128x64xf32, #tpu.memory_space<vmem>>
    tpu.wait_dma2 semaphore(%arg11 : memref<!tpu.dma_semaphore, #tpu.memory_space<semaphore_mem>>) src(%dma_wait3A_339 : memref<128x64xf32, #tpu.memory_space<vmem>>) dst(%dma_wait3A_335 : memref<128x64xf32, #tpu.memory_space<hbm>>)
    %add3A_340 = arith.constant 256 : i32
    %add3A_341 = arith.addi %mul3A_2, %add3A_340 : i32
    %dma_start3A_342 = arith.constant 0 : i32
    %dma_start3A_343 = arith.constant 0 : i32
    %dma_start3A_344 = arith.constant 0 : i32
    %dma_start3A_345 = tpu.memref_slice %arg8[%dma_start3A_342, %dma_start3A_343, %dma_start3A_344] : memref<2x128x64xf32, #tpu.memory_space<vmem>> -> memref<1x128x64xf32, #tpu.memory_space<vmem>>
    %dma_start3A_346 = tpu.memref_squeeze %dma_start3A_345 : memref<1x128x64xf32, #tpu.memory_space<vmem>> -> memref<128x64xf32, #tpu.memory_space<vmem>>
    %dma_start3A_347 = arith.constant 0 : i32
    %dma_start3A_348 = tpu.memref_slice %arg6[%add3A_341, %dma_start3A_347] : memref<16384x128xf32, #tpu.memory_space<hbm>> -> memref<128x128xf32, #tpu.memory_space<hbm>>
    %dma_start3A_349 = arith.constant 0 : i32
    %dma_start3A_350 = arith.constant 0 : i32
    %dma_start3A_351 = tpu.memref_slice %dma_start3A_348[%dma_start3A_349, %dma_start3A_350] : memref<128x128xf32, #tpu.memory_space<hbm>> -> memref<128x64xf32, #tpu.memory_space<hbm>>
    %dma_start3A_352 = arith.constant 0 : i32
    %dma_start3A_353 = tpu.memref_slice %arg6[%add3A_341, %dma_start3A_352] : memref<16384x128xf32, #tpu.memory_space<hbm>> -> memref<128x128xf32, #tpu.memory_space<hbm>>
    %dma_start3A_354 = arith.constant 0 : i32
    %dma_start3A_355 = arith.constant 0 : i32
    %dma_start3A_356 = tpu.memref_slice %dma_start3A_353[%dma_start3A_354, %dma_start3A_355] : memref<128x128xf32, #tpu.memory_space<hbm>> -> memref<128x64xf32, #tpu.memory_space<hbm>>
    %dma_start3A_357 = arith.constant 0 : i32
    %dma_start3A_358 = arith.constant 0 : i32
    %dma_start3A_359 = tpu.memref_slice %arg8[%dma_start3A_342, %dma_start3A_357, %dma_start3A_358] : memref<2x128x64xf32, #tpu.memory_space<vmem>> -> memref<1x128x64xf32, #tpu.memory_space<vmem>>
    %dma_start3A_360 = tpu.memref_squeeze %dma_start3A_359 : memref<1x128x64xf32, #tpu.memory_space<vmem>> -> memref<128x64xf32, #tpu.memory_space<vmem>>
    tpu.enqueue_dma source(%dma_start3A_360 : memref<128x64xf32, #tpu.memory_space<vmem>>) target(%dma_start3A_356 : memref<128x64xf32, #tpu.memory_space<hbm>>) target_semaphore(%arg11 : memref<!tpu.dma_semaphore, #tpu.memory_space<semaphore_mem>>)
    %dma_start3A_361 = arith.constant 0 : i32
    %dma_start3A_362 = arith.constant 0 : i32
    %dma_start3A_363 = arith.constant 0 : i32
    %dma_start3A_364 = tpu.memref_slice %arg9[%dma_start3A_361, %dma_start3A_362, %dma_start3A_363] : memref<2x128x64xf32, #tpu.memory_space<vmem>> -> memref<1x128x64xf32, #tpu.memory_space<vmem>>
    %dma_start3A_365 = tpu.memref_squeeze %dma_start3A_364 : memref<1x128x64xf32, #tpu.memory_space<vmem>> -> memref<128x64xf32, #tpu.memory_space<vmem>>
    %dma_start3A_366 = arith.constant 0 : i32
    %dma_start3A_367 = tpu.memref_slice %arg6[%add3A_341, %dma_start3A_366] : memref<16384x128xf32, #tpu.memory_space<hbm>> -> memref<128x128xf32, #tpu.memory_space<hbm>>
    %dma_start3A_368 = arith.constant 0 : i32
    %dma_start3A_369 = arith.constant 64 : i32
    %dma_start3A_370 = tpu.memref_slice %dma_start3A_367[%dma_start3A_368, %dma_start3A_369] : memref<128x128xf32, #tpu.memory_space<hbm>> -> memref<128x64xf32, #tpu.memory_space<hbm>>
    %dma_start3A_371 = arith.constant 0 : i32
    %dma_start3A_372 = tpu.memref_slice %arg6[%add3A_341, %dma_start3A_371] : memref<16384x128xf32, #tpu.memory_space<hbm>> -> memref<128x128xf32, #tpu.memory_space<hbm>>
    %dma_start3A_373 = arith.constant 0 : i32
    %dma_start3A_374 = arith.constant 64 : i32
    %dma_start3A_375 = tpu.memref_slice %dma_start3A_372[%dma_start3A_373, %dma_start3A_374] : memref<128x128xf32, #tpu.memory_space<hbm>> -> memref<128x64xf32, #tpu.memory_space<hbm>>
    %dma_start3A_376 = arith.constant 0 : i32
    %dma_start3A_377 = arith.constant 0 : i32
    %dma_start3A_378 = tpu.memref_slice %arg9[%dma_start3A_361, %dma_start3A_376, %dma_start3A_377] : memref<2x128x64xf32, #tpu.memory_space<vmem>> -> memref<1x128x64xf32, #tpu.memory_space<vmem>>
    %dma_start3A_379 = tpu.memref_squeeze %dma_start3A_378 : memref<1x128x64xf32, #tpu.memory_space<vmem>> -> memref<128x64xf32, #tpu.memory_space<vmem>>
    tpu.enqueue_dma source(%dma_start3A_379 : memref<128x64xf32, #tpu.memory_space<vmem>>) target(%dma_start3A_375 : memref<128x64xf32, #tpu.memory_space<hbm>>) target_semaphore(%arg11 : memref<!tpu.dma_semaphore, #tpu.memory_space<semaphore_mem>>)
    %dma_wait3A_380 = arith.constant 0 : i32
    %dma_wait3A_381 = arith.constant 3 : i32
    %dma_wait3A_382 = arith.constant 1 : i32
    %dma_wait3A_383 = arith.constant 0 : i32
    %dma_wait3A_384 = arith.constant 0 : i32
    %dma_wait3A_385 = tpu.memref_slice %arg8[%dma_wait3A_382, %dma_wait3A_383, %dma_wait3A_384] : memref<2x128x64xf32, #tpu.memory_space<vmem>> -> memref<1x128x64xf32, #tpu.memory_space<vmem>>
    %dma_wait3A_386 = tpu.memref_squeeze %dma_wait3A_385 : memref<1x128x64xf32, #tpu.memory_space<vmem>> -> memref<128x64xf32, #tpu.memory_space<vmem>>
    %dma_wait3A_387 = arith.constant 0 : i32
    %dma_wait3A_388 = tpu.memref_slice %arg7[%dma_wait3A_380, %dma_wait3A_381, %dma_wait3A_387] : memref<2x4x128xi32, #tpu.memory_space<vmem>> -> memref<1x1x128xi32, #tpu.memory_space<vmem>>
    %dma_wait3A_389 = tpu.memref_squeeze %dma_wait3A_388 : memref<1x1x128xi32, #tpu.memory_space<vmem>> -> memref<128xi32, #tpu.memory_space<vmem>>
    %dma_wait3A_390 = arith.constant 0 : i32
    %dma_wait3A_391 = arith.constant 0 : i32
    %dma_wait3A_392 = tpu.memref_slice %arg4[%dma_wait3A_390, %dma_wait3A_391] : memref<1000x64xf32, #tpu.memory_space<hbm>> -> memref<1000x64xf32, #tpu.memory_space<hbm>>
    tpu.wait_indirect_dma semaphore(%arg10 : memref<!tpu.dma_semaphore, #tpu.memory_space<semaphore_mem>>) src(%dma_wait3A_392 : memref<1000x64xf32, #tpu.memory_space<hbm>>) dst(%dma_wait3A_386 : memref<128x64xf32, #tpu.memory_space<vmem>>)
    %dma_wait3A_393 = arith.constant 1 : i32
    %dma_wait3A_394 = arith.constant 3 : i32
    %dma_wait3A_395 = arith.constant 1 : i32
    %dma_wait3A_396 = arith.constant 0 : i32
    %dma_wait3A_397 = arith.constant 0 : i32
    %dma_wait3A_398 = tpu.memref_slice %arg9[%dma_wait3A_395, %dma_wait3A_396, %dma_wait3A_397] : memref<2x128x64xf32, #tpu.memory_space<vmem>> -> memref<1x128x64xf32, #tpu.memory_space<vmem>>
    %dma_wait3A_399 = tpu.memref_squeeze %dma_wait3A_398 : memref<1x128x64xf32, #tpu.memory_space<vmem>> -> memref<128x64xf32, #tpu.memory_space<vmem>>
    %dma_wait3A_400 = arith.constant 0 : i32
    %dma_wait3A_401 = tpu.memref_slice %arg7[%dma_wait3A_393, %dma_wait3A_394, %dma_wait3A_400] : memref<2x4x128xi32, #tpu.memory_space<vmem>> -> memref<1x1x128xi32, #tpu.memory_space<vmem>>
    %dma_wait3A_402 = tpu.memref_squeeze %dma_wait3A_401 : memref<1x1x128xi32, #tpu.memory_space<vmem>> -> memref<128xi32, #tpu.memory_space<vmem>>
    %dma_wait3A_403 = arith.constant 0 : i32
    %dma_wait3A_404 = arith.constant 0 : i32
    %dma_wait3A_405 = tpu.memref_slice %arg5[%dma_wait3A_403, %dma_wait3A_404] : memref<100000x64xf32, #tpu.memory_space<hbm>> -> memref<100000x64xf32, #tpu.memory_space<hbm>>
    tpu.wait_indirect_dma semaphore(%arg10 : memref<!tpu.dma_semaphore, #tpu.memory_space<semaphore_mem>>) src(%dma_wait3A_405 : memref<100000x64xf32, #tpu.memory_space<hbm>>) dst(%dma_wait3A_399 : memref<128x64xf32, #tpu.memory_space<vmem>>)
    %dma_wait3A_406 = arith.constant 0 : i32
    %dma_wait3A_407 = arith.constant 0 : i32
    %dma_wait3A_408 = arith.constant 0 : i32
    %dma_wait3A_409 = tpu.memref_slice %arg8[%dma_wait3A_406, %dma_wait3A_407, %dma_wait3A_408] : memref<2x128x64xf32, #tpu.memory_space<vmem>> -> memref<1x128x64xf32, #tpu.memory_space<vmem>>
    %dma_wait3A_410 = tpu.memref_squeeze %dma_wait3A_409 : memref<1x128x64xf32, #tpu.memory_space<vmem>> -> memref<128x64xf32, #tpu.memory_space<vmem>>
    %dma_wait3A_411 = arith.constant 0 : i32
    %dma_wait3A_412 = tpu.memref_slice %arg6[%add3A_341, %dma_wait3A_411] : memref<16384x128xf32, #tpu.memory_space<hbm>> -> memref<128x128xf32, #tpu.memory_space<hbm>>
    %dma_wait3A_413 = arith.constant 0 : i32
    %dma_wait3A_414 = arith.constant 0 : i32
    %dma_wait3A_415 = tpu.memref_slice %dma_wait3A_412[%dma_wait3A_413, %dma_wait3A_414] : memref<128x128xf32, #tpu.memory_space<hbm>> -> memref<128x64xf32, #tpu.memory_space<hbm>>
    %dma_wait3A_416 = arith.constant 0 : i32
    %dma_wait3A_417 = tpu.memref_slice %arg6[%add3A_341, %dma_wait3A_416] : memref<16384x128xf32, #tpu.memory_space<hbm>> -> memref<128x128xf32, #tpu.memory_space<hbm>>
    %dma_wait3A_418 = arith.constant 0 : i32
    %dma_wait3A_419 = arith.constant 0 : i32
    %dma_wait3A_420 = tpu.memref_slice %dma_wait3A_417[%dma_wait3A_418, %dma_wait3A_419] : memref<128x128xf32, #tpu.memory_space<hbm>> -> memref<128x64xf32, #tpu.memory_space<hbm>>
    %dma_wait3A_421 = arith.constant 0 : i32
    %dma_wait3A_422 = arith.constant 0 : i32
    %dma_wait3A_423 = tpu.memref_slice %arg8[%dma_wait3A_406, %dma_wait3A_421, %dma_wait3A_422] : memref<2x128x64xf32, #tpu.memory_space<vmem>> -> memref<1x128x64xf32, #tpu.memory_space<vmem>>
    %dma_wait3A_424 = tpu.memref_squeeze %dma_wait3A_423 : memref<1x128x64xf32, #tpu.memory_space<vmem>> -> memref<128x64xf32, #tpu.memory_space<vmem>>
    tpu.wait_dma2 semaphore(%arg11 : memref<!tpu.dma_semaphore, #tpu.memory_space<semaphore_mem>>) src(%dma_wait3A_424 : memref<128x64xf32, #tpu.memory_space<vmem>>) dst(%dma_wait3A_420 : memref<128x64xf32, #tpu.memory_space<hbm>>)
    %dma_wait3A_425 = arith.constant 0 : i32
    %dma_wait3A_426 = arith.constant 0 : i32
    %dma_wait3A_427 = arith.constant 0 : i32
    %dma_wait3A_428 = tpu.memref_slice %arg9[%dma_wait3A_425, %dma_wait3A_426, %dma_wait3A_427] : memref<2x128x64xf32, #tpu.memory_space<vmem>> -> memref<1x128x64xf32, #tpu.memory_space<vmem>>
    %dma_wait3A_429 = tpu.memref_squeeze %dma_wait3A_428 : memref<1x128x64xf32, #tpu.memory_space<vmem>> -> memref<128x64xf32, #tpu.memory_space<vmem>>
    %dma_wait3A_430 = arith.constant 0 : i32
    %dma_wait3A_431 = tpu.memref_slice %arg6[%add3A_341, %dma_wait3A_430] : memref<16384x128xf32, #tpu.memory_space<hbm>> -> memref<128x128xf32, #tpu.memory_space<hbm>>
    %dma_wait3A_432 = arith.constant 0 : i32
    %dma_wait3A_433 = arith.constant 64 : i32
    %dma_wait3A_434 = tpu.memref_slice %dma_wait3A_431[%dma_wait3A_432, %dma_wait3A_433] : memref<128x128xf32, #tpu.memory_space<hbm>> -> memref<128x64xf32, #tpu.memory_space<hbm>>
    %dma_wait3A_435 = arith.constant 0 : i32
    %dma_wait3A_436 = tpu.memref_slice %arg6[%add3A_341, %dma_wait3A_435] : memref<16384x128xf32, #tpu.memory_space<hbm>> -> memref<128x128xf32, #tpu.memory_space<hbm>>
    %dma_wait3A_437 = arith.constant 0 : i32
    %dma_wait3A_438 = arith.constant 64 : i32
    %dma_wait3A_439 = tpu.memref_slice %dma_wait3A_436[%dma_wait3A_437, %dma_wait3A_438] : memref<128x128xf32, #tpu.memory_space<hbm>> -> memref<128x64xf32, #tpu.memory_space<hbm>>
    %dma_wait3A_440 = arith.constant 0 : i32
    %dma_wait3A_441 = arith.constant 0 : i32
    %dma_wait3A_442 = tpu.memref_slice %arg9[%dma_wait3A_425, %dma_wait3A_440, %dma_wait3A_441] : memref<2x128x64xf32, #tpu.memory_space<vmem>> -> memref<1x128x64xf32, #tpu.memory_space<vmem>>
    %dma_wait3A_443 = tpu.memref_squeeze %dma_wait3A_442 : memref<1x128x64xf32, #tpu.memory_space<vmem>> -> memref<128x64xf32, #tpu.memory_space<vmem>>
    tpu.wait_dma2 semaphore(%arg11 : memref<!tpu.dma_semaphore, #tpu.memory_space<semaphore_mem>>) src(%dma_wait3A_443 : memref<128x64xf32, #tpu.memory_space<vmem>>) dst(%dma_wait3A_439 : memref<128x64xf32, #tpu.memory_space<hbm>>)
    %add3A_444 = arith.constant 384 : i32
    %add3A_445 = arith.addi %mul3A_2, %add3A_444 : i32
    %dma_start3A_446 = arith.constant 1 : i32
    %dma_start3A_447 = arith.constant 0 : i32
    %dma_start3A_448 = arith.constant 0 : i32
    %dma_start3A_449 = tpu.memref_slice %arg8[%dma_start3A_446, %dma_start3A_447, %dma_start3A_448] : memref<2x128x64xf32, #tpu.memory_space<vmem>> -> memref<1x128x64xf32, #tpu.memory_space<vmem>>
    %dma_start3A_450 = tpu.memref_squeeze %dma_start3A_449 : memref<1x128x64xf32, #tpu.memory_space<vmem>> -> memref<128x64xf32, #tpu.memory_space<vmem>>
    %dma_start3A_451 = arith.constant 0 : i32
    %dma_start3A_452 = tpu.memref_slice %arg6[%add3A_445, %dma_start3A_451] : memref<16384x128xf32, #tpu.memory_space<hbm>> -> memref<128x128xf32, #tpu.memory_space<hbm>>
    %dma_start3A_453 = arith.constant 0 : i32
    %dma_start3A_454 = arith.constant 0 : i32
    %dma_start3A_455 = tpu.memref_slice %dma_start3A_452[%dma_start3A_453, %dma_start3A_454] : memref<128x128xf32, #tpu.memory_space<hbm>> -> memref<128x64xf32, #tpu.memory_space<hbm>>
    %dma_start3A_456 = arith.constant 0 : i32
    %dma_start3A_457 = tpu.memref_slice %arg6[%add3A_445, %dma_start3A_456] : memref<16384x128xf32, #tpu.memory_space<hbm>> -> memref<128x128xf32, #tpu.memory_space<hbm>>
    %dma_start3A_458 = arith.constant 0 : i32
    %dma_start3A_459 = arith.constant 0 : i32
    %dma_start3A_460 = tpu.memref_slice %dma_start3A_457[%dma_start3A_458, %dma_start3A_459] : memref<128x128xf32, #tpu.memory_space<hbm>> -> memref<128x64xf32, #tpu.memory_space<hbm>>
    %dma_start3A_461 = arith.constant 0 : i32
    %dma_start3A_462 = arith.constant 0 : i32
    %dma_start3A_463 = tpu.memref_slice %arg8[%dma_start3A_446, %dma_start3A_461, %dma_start3A_462] : memref<2x128x64xf32, #tpu.memory_space<vmem>> -> memref<1x128x64xf32, #tpu.memory_space<vmem>>
    %dma_start3A_464 = tpu.memref_squeeze %dma_start3A_463 : memref<1x128x64xf32, #tpu.memory_space<vmem>> -> memref<128x64xf32, #tpu.memory_space<vmem>>
    tpu.enqueue_dma source(%dma_start3A_464 : memref<128x64xf32, #tpu.memory_space<vmem>>) target(%dma_start3A_460 : memref<128x64xf32, #tpu.memory_space<hbm>>) target_semaphore(%arg11 : memref<!tpu.dma_semaphore, #tpu.memory_space<semaphore_mem>>)
    %dma_start3A_465 = arith.constant 1 : i32
    %dma_start3A_466 = arith.constant 0 : i32
    %dma_start3A_467 = arith.constant 0 : i32
    %dma_start3A_468 = tpu.memref_slice %arg9[%dma_start3A_465, %dma_start3A_466, %dma_start3A_467] : memref<2x128x64xf32, #tpu.memory_space<vmem>> -> memref<1x128x64xf32, #tpu.memory_space<vmem>>
    %dma_start3A_469 = tpu.memref_squeeze %dma_start3A_468 : memref<1x128x64xf32, #tpu.memory_space<vmem>> -> memref<128x64xf32, #tpu.memory_space<vmem>>
    %dma_start3A_470 = arith.constant 0 : i32
    %dma_start3A_471 = tpu.memref_slice %arg6[%add3A_445, %dma_start3A_470] : memref<16384x128xf32, #tpu.memory_space<hbm>> -> memref<128x128xf32, #tpu.memory_space<hbm>>
    %dma_start3A_472 = arith.constant 0 : i32
    %dma_start3A_473 = arith.constant 64 : i32
    %dma_start3A_474 = tpu.memref_slice %dma_start3A_471[%dma_start3A_472, %dma_start3A_473] : memref<128x128xf32, #tpu.memory_space<hbm>> -> memref<128x64xf32, #tpu.memory_space<hbm>>
    %dma_start3A_475 = arith.constant 0 : i32
    %dma_start3A_476 = tpu.memref_slice %arg6[%add3A_445, %dma_start3A_475] : memref<16384x128xf32, #tpu.memory_space<hbm>> -> memref<128x128xf32, #tpu.memory_space<hbm>>
    %dma_start3A_477 = arith.constant 0 : i32
    %dma_start3A_478 = arith.constant 64 : i32
    %dma_start3A_479 = tpu.memref_slice %dma_start3A_476[%dma_start3A_477, %dma_start3A_478] : memref<128x128xf32, #tpu.memory_space<hbm>> -> memref<128x64xf32, #tpu.memory_space<hbm>>
    %dma_start3A_480 = arith.constant 0 : i32
    %dma_start3A_481 = arith.constant 0 : i32
    %dma_start3A_482 = tpu.memref_slice %arg9[%dma_start3A_465, %dma_start3A_480, %dma_start3A_481] : memref<2x128x64xf32, #tpu.memory_space<vmem>> -> memref<1x128x64xf32, #tpu.memory_space<vmem>>
    %dma_start3A_483 = tpu.memref_squeeze %dma_start3A_482 : memref<1x128x64xf32, #tpu.memory_space<vmem>> -> memref<128x64xf32, #tpu.memory_space<vmem>>
    tpu.enqueue_dma source(%dma_start3A_483 : memref<128x64xf32, #tpu.memory_space<vmem>>) target(%dma_start3A_479 : memref<128x64xf32, #tpu.memory_space<hbm>>) target_semaphore(%arg11 : memref<!tpu.dma_semaphore, #tpu.memory_space<semaphore_mem>>)
    %dma_wait3A_484 = arith.constant 1 : i32
    %dma_wait3A_485 = arith.constant 0 : i32
    %dma_wait3A_486 = arith.constant 0 : i32
    %dma_wait3A_487 = tpu.memref_slice %arg8[%dma_wait3A_484, %dma_wait3A_485, %dma_wait3A_486] : memref<2x128x64xf32, #tpu.memory_space<vmem>> -> memref<1x128x64xf32, #tpu.memory_space<vmem>>
    %dma_wait3A_488 = tpu.memref_squeeze %dma_wait3A_487 : memref<1x128x64xf32, #tpu.memory_space<vmem>> -> memref<128x64xf32, #tpu.memory_space<vmem>>
    %dma_wait3A_489 = arith.constant 0 : i32
    %dma_wait3A_490 = tpu.memref_slice %arg6[%add3A_445, %dma_wait3A_489] : memref<16384x128xf32, #tpu.memory_space<hbm>> -> memref<128x128xf32, #tpu.memory_space<hbm>>
    %dma_wait3A_491 = arith.constant 0 : i32
    %dma_wait3A_492 = arith.constant 0 : i32
    %dma_wait3A_493 = tpu.memref_slice %dma_wait3A_490[%dma_wait3A_491, %dma_wait3A_492] : memref<128x128xf32, #tpu.memory_space<hbm>> -> memref<128x64xf32, #tpu.memory_space<hbm>>
    %dma_wait3A_494 = arith.constant 0 : i32
    %dma_wait3A_495 = tpu.memref_slice %arg6[%add3A_445, %dma_wait3A_494] : memref<16384x128xf32, #tpu.memory_space<hbm>> -> memref<128x128xf32, #tpu.memory_space<hbm>>
    %dma_wait3A_496 = arith.constant 0 : i32
    %dma_wait3A_497 = arith.constant 0 : i32
    %dma_wait3A_498 = tpu.memref_slice %dma_wait3A_495[%dma_wait3A_496, %dma_wait3A_497] : memref<128x128xf32, #tpu.memory_space<hbm>> -> memref<128x64xf32, #tpu.memory_space<hbm>>
    %dma_wait3A_499 = arith.constant 0 : i32
    %dma_wait3A_500 = arith.constant 0 : i32
    %dma_wait3A_501 = tpu.memref_slice %arg8[%dma_wait3A_484, %dma_wait3A_499, %dma_wait3A_500] : memref<2x128x64xf32, #tpu.memory_space<vmem>> -> memref<1x128x64xf32, #tpu.memory_space<vmem>>
    %dma_wait3A_502 = tpu.memref_squeeze %dma_wait3A_501 : memref<1x128x64xf32, #tpu.memory_space<vmem>> -> memref<128x64xf32, #tpu.memory_space<vmem>>
    tpu.wait_dma2 semaphore(%arg11 : memref<!tpu.dma_semaphore, #tpu.memory_space<semaphore_mem>>) src(%dma_wait3A_502 : memref<128x64xf32, #tpu.memory_space<vmem>>) dst(%dma_wait3A_498 : memref<128x64xf32, #tpu.memory_space<hbm>>)
    %dma_wait3A_503 = arith.constant 1 : i32
    %dma_wait3A_504 = arith.constant 0 : i32
    %dma_wait3A_505 = arith.constant 0 : i32
    %dma_wait3A_506 = tpu.memref_slice %arg9[%dma_wait3A_503, %dma_wait3A_504, %dma_wait3A_505] : memref<2x128x64xf32, #tpu.memory_space<vmem>> -> memref<1x128x64xf32, #tpu.memory_space<vmem>>
    %dma_wait3A_507 = tpu.memref_squeeze %dma_wait3A_506 : memref<1x128x64xf32, #tpu.memory_space<vmem>> -> memref<128x64xf32, #tpu.memory_space<vmem>>
    %dma_wait3A_508 = arith.constant 0 : i32
    %dma_wait3A_509 = tpu.memref_slice %arg6[%add3A_445, %dma_wait3A_508] : memref<16384x128xf32, #tpu.memory_space<hbm>> -> memref<128x128xf32, #tpu.memory_space<hbm>>
    %dma_wait3A_510 = arith.constant 0 : i32
    %dma_wait3A_511 = arith.constant 64 : i32
    %dma_wait3A_512 = tpu.memref_slice %dma_wait3A_509[%dma_wait3A_510, %dma_wait3A_511] : memref<128x128xf32, #tpu.memory_space<hbm>> -> memref<128x64xf32, #tpu.memory_space<hbm>>
    %dma_wait3A_513 = arith.constant 0 : i32
    %dma_wait3A_514 = tpu.memref_slice %arg6[%add3A_445, %dma_wait3A_513] : memref<16384x128xf32, #tpu.memory_space<hbm>> -> memref<128x128xf32, #tpu.memory_space<hbm>>
    %dma_wait3A_515 = arith.constant 0 : i32
    %dma_wait3A_516 = arith.constant 64 : i32
    %dma_wait3A_517 = tpu.memref_slice %dma_wait3A_514[%dma_wait3A_515, %dma_wait3A_516] : memref<128x128xf32, #tpu.memory_space<hbm>> -> memref<128x64xf32, #tpu.memory_space<hbm>>
    %dma_wait3A_518 = arith.constant 0 : i32
    %dma_wait3A_519 = arith.constant 0 : i32
    %dma_wait3A_520 = tpu.memref_slice %arg9[%dma_wait3A_503, %dma_wait3A_518, %dma_wait3A_519] : memref<2x128x64xf32, #tpu.memory_space<vmem>> -> memref<1x128x64xf32, #tpu.memory_space<vmem>>
    %dma_wait3A_521 = tpu.memref_squeeze %dma_wait3A_520 : memref<1x128x64xf32, #tpu.memory_space<vmem>> -> memref<128x64xf32, #tpu.memory_space<vmem>>
    tpu.wait_dma2 semaphore(%arg11 : memref<!tpu.dma_semaphore, #tpu.memory_space<semaphore_mem>>) src(%dma_wait3A_521 : memref<128x64xf32, #tpu.memory_space<vmem>>) dst(%dma_wait3A_517 : memref<128x64xf32, #tpu.memory_space<hbm>>)
    return
  }
}

module attributes {stable_mosaic.version = 14 : i64} {
  func.func @_mm_body(%arg0: i32, %arg1: memref<1024x128xf32, #tpu.memory_space<vmem>>, %arg2: memref<1024x128xf32, #tpu.memory_space<vmem>>, %arg3: memref<256x128xf32, #tpu.memory_space<vmem>>, %arg4: memref<256x128xf32, #tpu.memory_space<vmem>>, %arg5: memref<1x256xf32, #tpu.memory_space<vmem>>, %arg6: memref<1024x256xf32, #tpu.memory_space<vmem>>) attributes {dimension_semantics = [#tpu.dimension_semantics<arbitrary>], iteration_bounds = array<i64: 16>, scalar_prefetch = 0 : i64, scratch_operands = 0 : i64, tpu.core_type = #tpu.core_type<tc>, window_params = [{transform_indices = @transform_0, window_bounds = array<i64: 1024, 128>}, {transform_indices = @transform_1, window_bounds = array<i64: 1024, 128>}, {pipeline_mode = #tpu.pipeline_mode<synchronous>, transform_indices = @transform_2, window_bounds = array<i64: 256, 128>}, {pipeline_mode = #tpu.pipeline_mode<synchronous>, transform_indices = @transform_3, window_bounds = array<i64: 256, 128>}, {pipeline_mode = #tpu.pipeline_mode<synchronous>, transform_indices = @transform_4, window_bounds = array<i64: 1, 256>}, {transform_indices = @transform_5, window_bounds = array<i64: 1024, 256>}]} {
    %get3A = arith.constant 0 : index
    %get3A_0 = arith.constant 0 : index
    %get3A_1 = vector.load %arg1[%get3A, %get3A_0] : memref<1024x128xf32, #tpu.memory_space<vmem>>, vector<1024x128xf32>
    %get3A_2 = arith.constant 0 : index
    %get3A_3 = arith.constant 0 : index
    %get3A_4 = vector.load %arg3[%get3A_2, %get3A_3] : memref<256x128xf32, #tpu.memory_space<vmem>>, vector<256x128xf32>
    %dot_general3A = arith.constant dense<0.000000e+00> : vector<1024x256xf32>
    %dot_general3A_5 = tpu.matmul %get3A_1, %get3A_4, %dot_general3A {dimension_numbers = #tpu.dot_dimension_numbers<[1], [1], [0], [0], [0, 0, 1, 0], [], []>, transpose_lhs_hint = false} : vector<1024x128xf32>, vector<256x128xf32>, vector<1024x256xf32> -> vector<1024x256xf32>
    %get3A_6 = arith.constant 0 : index
    %get3A_7 = arith.constant 0 : index
    %get3A_8 = vector.load %arg2[%get3A_6, %get3A_7] : memref<1024x128xf32, #tpu.memory_space<vmem>>, vector<1024x128xf32>
    %get3A_9 = arith.constant 0 : index
    %get3A_10 = arith.constant 0 : index
    %get3A_11 = vector.load %arg4[%get3A_9, %get3A_10] : memref<256x128xf32, #tpu.memory_space<vmem>>, vector<256x128xf32>
    %dot_general3A_12 = arith.constant dense<0.000000e+00> : vector<1024x256xf32>
    %dot_general3A_13 = tpu.matmul %get3A_8, %get3A_11, %dot_general3A_12 {dimension_numbers = #tpu.dot_dimension_numbers<[1], [1], [0], [0], [0, 0, 1, 0], [], []>, transpose_lhs_hint = false} : vector<1024x128xf32>, vector<256x128xf32>, vector<1024x256xf32> -> vector<1024x256xf32>
    %add3A = arith.addf %dot_general3A_5, %dot_general3A_13 : vector<1024x256xf32>
    %get3A_14 = arith.constant 0 : index
    %get3A_15 = arith.constant 0 : index
    %get3A_16 = vector.load %arg5[%get3A_14, %get3A_15] : memref<1x256xf32, #tpu.memory_space<vmem>>, vector<1x256xf32>
    %add3A_17 = vector.broadcast %get3A_16 : vector<1x256xf32> to vector<1024x256xf32>
    %add3A_18 = arith.addf %add3A, %add3A_17 : vector<1024x256xf32>
    %swap3A = arith.constant 0 : index
    %swap3A_19 = arith.constant 0 : index
    %swap3A_20 = vector.load %arg6[%swap3A, %swap3A_19] : memref<1024x256xf32, #tpu.memory_space<vmem>>, vector<1024x256xf32>
    tpu.vector_store %arg6[%swap3A, %swap3A_19], %add3A_18 {strides = array<i32>} : memref<1024x256xf32, #tpu.memory_space<vmem>>, vector<1024x256xf32>,
    return
  }
  func.func @transform_0(%arg0: i32) -> (i32, i32) {
    %c0_i32 = arith.constant 0 : i32
    %c0_i32_0 = arith.constant 0 : i32
    return %arg0, %c0_i32 : i32, i32
  }
  func.func @transform_1(%arg0: i32) -> (i32, i32) {
    %c0_i32 = arith.constant 0 : i32
    %c0_i32_0 = arith.constant 0 : i32
    return %arg0, %c0_i32 : i32, i32
  }
  func.func @transform_2(%arg0: i32) -> (i32, i32) {
    %c0_i32 = arith.constant 0 : i32
    %c0_i32_0 = arith.constant 0 : i32
    %c0_i32_1 = arith.constant 0 : i32
    return %c0_i32, %c0_i32_0 : i32, i32
  }
  func.func @transform_3(%arg0: i32) -> (i32, i32) {
    %c0_i32 = arith.constant 0 : i32
    %c0_i32_0 = arith.constant 0 : i32
    %c0_i32_1 = arith.constant 0 : i32
    return %c0_i32, %c0_i32_0 : i32, i32
  }
  func.func @transform_4(%arg0: i32) -> (i32, i32) {
    %c0_i32 = arith.constant 0 : i32
    %c0_i32_0 = arith.constant 0 : i32
    %c0_i32_1 = arith.constant 0 : i32
    return %c0_i32, %c0_i32_0 : i32, i32
  }
  func.func @transform_5(%arg0: i32) -> (i32, i32) {
    %c0_i32 = arith.constant 0 : i32
    %c0_i32_0 = arith.constant 0 : i32
    return %arg0, %c0_i32 : i32, i32
  }
}

</mosaic_0001>

<sc_bundles>
// kernel: news_encoder_sc_gather64.3.cloned.1.call-start
scs
__scs_entry_jumppad:
0x0: {  	(pc) =	sbr.rel $0x88, $3  }
0x1: {  	(tag) =	ssettag $0x0;
	lr =	simm.s32 $0x1  }
0x2: {  	[smem:$0x3F99] =	sst lr;
	_ =	strace $0xD0000000  }
0x3: {  	_ = 	snop  }
0x4: {  	_ = 	snop  }
0x5: {  	_ = 	snop  }
0x6: {  	_ = 	snop  }
0x7: {  	_ = 	snop  }
__scs_overlays_trampoline_lowered:
0x8: {  	[smem:$0x3FA8] =	sst s0  }
0x9: {  	[smem:$0x3FA9] =	sst s1  }
0xa: {  	[smem:$0x3FAA] =	sst s2  }
0xb: {  	[smem:$0x3FAB] =	sst s3  }
0xc: {  	[smem:$0x3FAC] =	sst s4  }
0xd: {  	[smem:$0x3FAD] =	sst s5  }
0xe: {  	[smem:$0x3FAE] =	sst s6  }
0xf: {  	[smem:$0x3FAF] =	sst s7  }
0x10: {  	[smem:$0x3FB0] =	sst s8  }
0x11: {  	[smem:$0x3FB1] =	sst s9;
	s0 =	simm.s32 @!p0 $0x0  }
0x12: {  	s1 =	sld [smem:$0x3F97];
	s0 =	simm.s32 @p0 $0x1  }
0x13: {  	[smem:$0x3FB2] =	sst s0;
	s0 =	simm.s32 @!p1 $0x0  }
0x14: {  	s2 =	sld [smem:$0x3F96];
	s0 =	simm.s32 @p1 $0x1  }
0x15: {  	[smem:$0x3FB3] =	sst s0;
	s0 =	simm.s32 @!p2 $0x0  }
0x16: {  	s3 =	sld [smem:$0x3FDB];
	s0 =	simm.s32 @p2 $0x1  }
0x17: {  	s4 =	simm.s32 $0x1BF5;
	[smem:$0x3FB5] =	sst s0  }
0x18: {  	s0 =	sld [smem:$0x3F98];
	_ =	swait.ge [sflag:s4], $0x0  }
0x19: {  	s7 =	sld [smem:$0x3F99]  }
0x1a: {  	s8 =	sadd.s32 $0xFFFFE003, lr  }
0x1b: {  	s9 =	sadd.s32 $0xFFFFFEF7, lr;
	s5 =	simm.s32 $0xFFFFFFFF;
	p2 =	slt.u32 s8, $0xFFFFF086  }
0x1c: {  	p1 =	slt.u32 s9, $0xF7A;
	s5 =	simm.s32 @!p2 $0x0  }
0x1d: {  	s5 =	simm.s32 @p1 $0x1;
	p0 =	seq.s32 s7, s2  }
0x1e: {  	s7 =	smul.u32 @!p0 $0xF7A, s2;
	p2 =	seq.s32 @!p0 s5, $0x0  }
0x1f: {  	s9 =	smul.u32 $0xF7A, s1;
	s8 =	simm.s32 @!p0 $0x1BF5;
	p2 =	por !p2, p0  }
0x20: {  	[sflag:s8] =	ssyncset.s32 @!p0 $0xFFFFF086;
	s6 =	sadd.s32 @!p0 s3, s7;
	s7 =	simm.s32 @!p0 $0x108  }
0x21: {  	s3 =	sadd.s32 s3, s9;
	s6 =	sadd.s32 @!p0 $0x88, s6;
	s7 =	simm.s32 @p2 $0x1082  }
0x22: {  	[simem:s7], [sflag:s8] =	dma.local @!p0 [hbm:s6], $0xF7A  }
0x23: {  	s9 =	sor.u32 $0xD0000000, s2;
	s6 =	simm.s32 $0x108;
	_ =	swait.ge @!p0 [sflag:s8], $0x0  }
0x24: {  	s3 =	sadd.s32 $0x88, s3;
	s6 =	simm.s32 @!p1 $0x1082;
	[sflag:s4] =	ssyncset.s32 $0xFFFFF086  }
0x25: {  	[simem:s6], [sflag:s4] =	dma.local [hbm:s3], $0xF7A  }
0x26: {  	[smem:$0x3F99] =	sst s1;
	(tag) =	ssettag s2;
	_ =	strace s9  }
0x27: {  	s1 =	sld [smem:$0x3FA9]  }
0x28: {  	s2 =	sld [smem:$0x3FAA]  }
0x29: {  	s4 =	sld [smem:$0x3FAC]  }
0x2a: {  	p0 =	seq.s32 s5, $0x0;
	s5 =	sld [smem:$0x3FAD]  }
0x2b: {  	s6 =	sld [smem:$0x3FAE]  }
0x2c: {  	s7 =	sld [smem:$0x3FAF]  }
0x2d: {  	s3 =	simm.s32 $0x108;
	s8 =	sld [smem:$0x3FB0]  }
0x2e: {  	s3 =	simm.s32 @!p0 $0x1082;
	s9 =	sld [smem:$0x3FB1]  }
0x2f: {  	lr =	sadd.s32 s0, s3;
	s0 =	sld [smem:$0x3FA8]  }
0x30: {  	s3 =	sld [smem:$0x3FAB]  }
0x31: {  	[smem:$0x3FB4] =	sst s10  }
0x32: {  	s10 =	sld [smem:$0x3FB2];
	_ =	sdelay $0x3  }
0x33: {  	p0 =	seq.s32 s10, $0x1;
	s10 =	sld [smem:$0x3FB4];
	_ =	sdelay $0x3  }
0x34: {  	[smem:$0x3FB4] =	sst s10  }
0x35: {  	s10 =	sld [smem:$0x3FB3];
	_ =	sdelay $0x3  }
0x36: {  	p1 =	seq.s32 s10, $0x1;
	s10 =	sld [smem:$0x3FB4];
	_ =	sdelay $0x3  }
0x37: {  	[smem:$0x3FB4] =	sst s10  }
0x38: {  	s10 =	sld [smem:$0x3FB5]  }
0x39: {  	_ = 	snop;
	(pc) =	sbr.ind lr, $3  }
0x3a: {  	_ = 	snop  }
0x3b: {  	_ = 	snop  }
0x3c: {  	p2 =	seq.s32 s10, $0x1;
	s10 =	sld [smem:$0x3FB4]  }
0x3d: {  	_ =	shalt  }
0x3e: {  	_ =	shalt  }
0x3f: {  	_ =	shalt  }
0x40: {  	_ =	shalt  }
0x41: {  	_ =	shalt  }
0x42: {  	_ =	shalt  }
0x43: {  	_ =	shalt  }
0x44: {  	_ =	shalt  }
0x45: {  	_ =	shalt  }
0x46: {  	_ =	shalt  }
0x47: {  	_ =	shalt  }
0x48: {  	_ =	shalt  }
0x49: {  	_ =	shalt  }
0x4a: {  	_ =	shalt  }
0x4b: {  	_ =	shalt  }
0x4c: {  	_ =	shalt  }
0x4d: {  	_ =	shalt  }
0x4e: {  	_ =	shalt  }
0x4f: {  	_ =	shalt  }
0x50: {  	_ =	shalt  }
0x51: {  	_ =	shalt  }
0x52: {  	_ =	shalt  }
0x53: {  	_ =	shalt  }
0x54: {  	_ =	shalt  }
0x55: {  	_ =	shalt  }
0x56: {  	_ =	shalt  }
0x57: {  	_ =	shalt  }
0x58: {  	_ =	shalt  }
0x59: {  	_ =	shalt  }
0x5a: {  	_ =	shalt  }
0x5b: {  	_ =	shalt  }
0x5c: {  	_ =	shalt  }
0x5d: {  	_ =	shalt  }
0x5e: {  	_ =	shalt  }
0x5f: {  	_ =	shalt  }
0x60: {  	_ =	shalt  }
0x61: {  	_ =	shalt  }
0x62: {  	_ =	shalt  }
0x63: {  	_ =	shalt  }
0x64: {  	_ =	shalt  }
0x65: {  	_ =	shalt  }
0x66: {  	_ =	shalt  }
0x67: {  	_ =	shalt  }
0x68: {  	_ =	shalt  }
0x69: {  	_ =	shalt  }
0x6a: {  	_ =	shalt  }
0x6b: {  	_ =	shalt  }
0x6c: {  	_ =	shalt  }
0x6d: {  	_ =	shalt  }
0x6e: {  	_ =	shalt  }
0x6f: {  	_ =	shalt  }
0x70: {  	_ =	shalt  }
0x71: {  	_ =	shalt  }
0x72: {  	_ =	shalt  }
0x73: {  	_ =	shalt  }
0x74: {  	_ =	shalt  }
0x75: {  	_ =	shalt  }
0x76: {  	_ =	shalt  }
0x77: {  	_ =	shalt  }
0x78: {  	_ =	shalt  }
0x79: {  	_ =	shalt  }
0x7a: {  	_ =	shalt  }
0x7b: {  	_ =	shalt  }
0x7c: {  	_ =	shalt  }
0x7d: {  	_ =	shalt  }
0x7e: {  	_ =	shalt  }
0x7f: {  	_ =	shalt  }
0x80: {  	_ =	shalt  }
0x81: {  	_ =	shalt  }
0x82: {  	_ =	shalt  }
0x83: {  	_ =	shalt  }
0x84: {  	_ =	shalt  }
0x85: {  	_ =	shalt  }
0x86: {  	_ =	shalt  }
0x87: {  	_ =	shalt  }
.Lfunc_end0:
.L_simem_size_0:
called_computation_lowered:
.L_overlay_start_0:
0x88: {  	s2 =	sld [smem:$0x3FD9]  }
0x89: {  	s3 =	sld [smem:$0x3FFE];
	_ =	sdelay $0x1  }
0x8a: {  	s1 =	srdreg.scid  }
0x8b: {  	s0 =	sand.u32 $0x1, s1  }
0x8c: {  	s17 =	sshll.u32 s0, $0xA;
	s2 =	sadd.s32 s3, s2  }
0x8d: {  	s2 =	sadd.s32 s2, s17  }
0x8e: {  	[smem:$0x3FC0] =	sst s2  }
0x8f: {  	_ = 	snop  }
0x90: {  	s2 =	sld [smem:$0x3FC8]  }
0x91: {  	s18 =	sld [smem:$0x3FC7];
	(tm) =	ssettm $0x1  }
0x92: {  	s4 =	sld [smem:$0x3FFB];
	_ =	sdelay $0x3  }
0x93: {  	_ =	strace s4  }
0x94: {  	s4 =	sld [smem:$0x3FFC];
	_ =	sdelay $0x3  }
0x95: {  	_ =	strace s4  }
0x96: {  	s4 =	sld [smem:$0x3FFD];
	_ =	sdelay $0x3  }
0x97: {  	_ =	strace s4  }
0x98: {  	_ =	strace $0x8FFFFFFF  }
0x99: {  	s19 =	sld [smem:$0x3FDB];
	_ =	sdelay $0x1  }
0x9a: {  	s5 =	simm.s32 $_scs_section_size  }
0x9b: {  	s6 =	simm.s32 $_size__tile_overlayer_lowered;
	s7 =	simm.s32 $_tile_overlayer_lowered  }
0x9c: {  	s22 =	simm.s32 $0x1BFF;
	s21 =	sshll.u32 s7, $0x1;
	s4 =	sadd.s32 s5, s19  }
0x9d: {  	s8 =	simm.s32 $0x0;
	s20 =	sshll.u32 s6, $0x1;
	s6 =	sadd.s32 s21, s4  }
0x9e: {  	[timem:s8], [sflag:s22] =	dma.local [hbm:s6], s20  }
0x9f: {  	_ =	swait.ge [sflag:s22], s20  }
0xa0: {  	s5 =	ssub.s32 $0x0, s20;
	[sflag:s22] =	ssyncset.done $0x0  }
0xa1: {  	[sflag:s22] =	ssyncadd.s32 s5;
	_ =	sdelay $0x1  }
0xa2: {  	s23 =	simm.s32 $0x1B8B  }
0xa3: {  	_ =	swait.ge [sflag:s23], $0x1  }
0xa4: {  	[sflag:s23] =	ssyncset.done $0x0  }
0xa5: {  	s25 =	simm.s32 $0x1B8E;
	s24 =	sld [smem:$0x3FFE];
	[sflag:s23] =	ssyncadd.s32 $0xFFFFFFFF  }
0xa6: {  	s26 =	simm.s32 $execute0_lowered;
	[smem:$0x3FD2] =	sst s25  }
0xa7: {  	s6 =	sshll.u32 s26, $0x1;
	_ =	strace $0x80000046;
	[dreg:$0x1] =	wrdreg $0xFFFFFFFF  }
0xa8: {  	s28 =	simm.s32 $_size_execute0_lowered;
	s4 =	sadd.s32 s4, s6;
	[dreg:$0x0] =	wrdreg $0x0  }
0xa9: {  	s6 =	sshll.u32 s28, $0x1;
	[dreg:$0x2] =	wrdreg s4  }
0xaa: {  	[dreg:$0x3] =	wrdreg s6  }
0xab: {  	[dreg:$0x4] =	wrdreg $0xC0  }
0xac: {  	_ =	task [dreg:s8], $0x5FFFF  }
0xad: {  	[dreg:$0x1] =	wrdreg $0xFFFFFFFF  }
0xae: {  	[dreg:$0x0] =	wrdreg $0x60  }
0xaf: {  	[dreg:$0x2] =	wrdreg s2  }
0xb0: {  	[dreg:$0x3] =	wrdreg s18  }
0xb1: {  	[dreg:$0x4] =	wrdreg s24  }
0xb2: {  	[dreg:$0x5] =	wrdreg $0x9  }
0xb3: {  	_ =	task.clear_ibuf [dreg:s8], $0x6FFFF;
	_ =	strace $0x90000046  }
0xb4: {  	s29 =	simm.s32 $0x9;
	_ =	strace $0x80000048  }
0xb5: {  	_ =	swait.ge [sflag:s29], $0x1  }
0xb6: {  	[sflag:s29] =	ssyncadd.s32 $0xFFFFFFFF  }
0xb7: {  	_ =	strace $0x90000048  }
0xb8: {  	_ =	sfence  }
0xb9: {  	s30 =	sld [smem:$0x0];
	_ =	sdelay $0x2  }
0xba: {  	s31 =	sshll.u32 s1, $0xD;
	s1 =	sshrl.u32 s1, $0x2  }
0xbb: {  	s3 =	sand.u32 $0x4000, s31;
	s1 =	sadd.s32 s1, s30  }
0xbc: {  	s0 =	sor.u32 s3, s0;
	s1 =	sshll.u32 s1, $0x11  }
0xbd: {  	s0 =	sor.u32 s1, s0  }
0xbe: {  	s0 =	sadd.s32 $0x8F2B, s0  }
0xbf: {  	[sflag:s0] =	ssyncadd.remote.s32 $0x1  }
0xc0: {  	_ =	sfence.sel $0xFFFF  }
0xc1: {  	[dreg:$0x0] =	wrdreg $0xFFFFFFFF;
	(pc) =	sbr.abs _section_cstart, $3  }
0xc2: {  	[dreg:$0x1] =	wrdreg $0xFFFFFFFF  }
0xc3: {  	_ =	task.clear_ibuf [dreg:s8], $0x2FFFF;
	_ =	strace $0x9FFFFFFF  }
0xc4: {  	(tm) =	ssettm $0x7FFFFFFF  }
0xc5: {  	_ =	shalt  }
tec
execute0_lowered:
.L_overlay_start_1:
0x0: {  	(tag) =	ssettag $0x1  }
0x1: {  	s1 =	srdreg.scid  }
0x2: {  	s3 =	rddreg [dreg:$0x0];
	s0 =	stileid.u32;
	s30 =	sand.u32 $0x1, s1  }
0x3: {  	s5 =	rddreg [dreg:$0x1];
	s4 =	sshll.u32 s0, $0xA;
	s6 =	sshll.u32 s30, $0x9  }
0x4: {  	s16 =	rddreg [dreg:$0x2];
	s2 =	simm.s32 $0x0;
	s17 =	sor.u32 s6, s4  }
0x5: {  	[smem:$0x7FF] =	sst s2;
	s6 =	sshrl.u32 s17, $0x3  }
0x6: {  	_ =	strace $0x80000047;
	s4 =	simm.s32 $0x3;
	s3 =	sadd.s32 s3, s6  }
0x7: {  	[tilespmem:s2], [sflag:$0x3] =	stream.linear.gather [hbm4b:s3+s2], $0x200, $0x38;
	[tilespmem:$0x8400] =	vst v63  }
0x8: {  	_ =	swait.ge [sflag:s4], $0x200  }
0x9: {  	[sflag:s4] =	ssyncset.done $0x0  }
0xa: {  	s5 =	sadd.s32 s5, s6;
	s6 =	simm.s32 $0x200;
	[sflag:s4] =	ssyncadd.s32 $0xFFFFFE00  }
0xb: {  	[tilespmem:s6], [sflag:$0x3] =	stream.linear.gather [hbm4b:s5+s2], $0x200, $0x38;
	[tilespmem:$0x8400] =	vst v63  }
0xc: {  	_ =	swait.ge [sflag:s4], $0x200  }
0xd: {  	s8 =	simm.s32 $0x80;
	[sflag:s4] =	ssyncset.done $0x0  }
0xe: {  	s9 =	simm.s32 $0x400;
	s7 =	sadd.s32 $0x1400, s16;
	[sflag:s4] =	ssyncadd.s32 $0xFFFFFE00  }
0xf: {  	[tilespmem:s9], [sflag:$0x1] =	stream.indirect.gather [hbm4b:s7+s8], $0x40, s2, s8, $0xb8;
	[tilespmem:$0x8400] =	vst v63  }
0x10: {  	s11 =	simm.s32 $0x4400;
	s10 =	sadd.s32 $0x187E00, s16  }
0x11: {  	[tilespmem:s11], [sflag:$0x1] =	stream.indirect.gather [hbm4b:s10+s8], $0x40, s6, s8, $0xb8;
	[tilespmem:$0x8400] =	vst v63  }
0x12: {  	s12 =	simm.s32 $0x2400  }
0x13: {  	[tilespmem:s12], [sflag:$0x1] =	stream.indirect.gather [hbm4b:s7+s8], $0x40, s8, s8, $0xb8;
	[tilespmem:$0x8400] =	vst v63  }
0x14: {  	s13 =	simm.s32 $0x280;
	s14 =	simm.s32 $0x6400;
	s15 =	simm.s32 $0x1  }
0x15: {  	[tilespmem:s14], [sflag:$0x1] =	stream.indirect.gather [hbm4b:s10+s8], $0x40, s13, s8, $0xb8;
	[tilespmem:$0x8400] =	vst v63  }
0x16: {  	_ =	swait.ge [sflag:s15], $0x2000  }
0x17: {  	[sflag:s15] =	ssyncset.done $0x0  }
0x18: {  	[sflag:s15] =	ssyncadd.s32 $0xFFFFE000  }
0x19: {  	s17 =	sshll.u32 s17, $0x4;
	_ =	swait.ge [sflag:s15], $0x2000  }
0x1a: {  	s29 =	sadd.s32 s17, s16;
	[sflag:s15] =	ssyncset.done $0x0  }
0x1b: {  	s17 =	simm.s32 $0x40;
	s16 =	sadd.s32 $0x3400, s29;
	[sflag:s15] =	ssyncadd.s32 $0xFFFFE000  }
0x1c: {  	[hbm4b:s16+s17] =	stream.strided.scatter [tilespmem:s9], [sflag:$0x2], $0x2000, s8, s17, $0x38;
	[tilespmem:$0x8400] =	vst v63  }
0x1d: {  	s18 =	sadd.s32 $0x8, s16  }
0x1e: {  	[hbm4b:s18+s17] =	stream.strided.scatter [tilespmem:s11], [sflag:$0x2], $0x2000, s8, s17, $0x38;
	[tilespmem:$0x8400] =	vst v63  }
0x1f: {  	s19 =	simm.s32 $0x100  }
0x20: {  	[tilespmem:s9], [sflag:$0x1] =	stream.indirect.gather [hbm4b:s7+s8], $0x40, s19, s8, $0xb8;
	[tilespmem:$0x8400] =	vst v63  }
0x21: {  	s20 =	simm.s32 $0x300  }
0x22: {  	[tilespmem:s11], [sflag:$0x1] =	stream.indirect.gather [hbm4b:s10+s8], $0x40, s20, s8, $0xb8;
	[tilespmem:$0x8400] =	vst v63  }
0x23: {  	_ =	swait.ge [sflag:s15], $0x2000  }
0x24: {  	[sflag:s15] =	ssyncset.done $0x0  }
0x25: {  	[sflag:s15] =	ssyncadd.s32 $0xFFFFE000  }
0x26: {  	_ =	swait.ge [sflag:s15], $0x2000  }
0x27: {  	[sflag:s15] =	ssyncset.done $0x0  }
0x28: {  	s21 =	simm.s32 $0x2;
	[sflag:s15] =	ssyncadd.s32 $0xFFFFE000  }
0x29: {  	_ =	swait.ge [sflag:s21], $0x2000  }
0x2a: {  	[sflag:s21] =	ssyncset.done $0x0  }
0x2b: {  	[sflag:s21] =	ssyncadd.s32 $0xFFFFE000  }
0x2c: {  	_ =	swait.ge [sflag:s21], $0x2000  }
0x2d: {  	[sflag:s21] =	ssyncset.done $0x0  }
0x2e: {  	s22 =	sadd.s32 $0x3C00, s29;
	[sflag:s21] =	ssyncadd.s32 $0xFFFFE000  }
0x2f: {  	[hbm4b:s22+s17] =	stream.strided.scatter [tilespmem:s12], [sflag:$0x2], $0x2000, s8, s17, $0x38;
	[tilespmem:$0x8400] =	vst v63  }
0x30: {  	s23 =	sadd.s32 $0x8, s22  }
0x31: {  	[hbm4b:s23+s17] =	stream.strided.scatter [tilespmem:s14], [sflag:$0x2], $0x2000, s8, s17, $0x38;
	[tilespmem:$0x8400] =	vst v63  }
0x32: {  	s24 =	simm.s32 $0x180  }
0x33: {  	[tilespmem:s12], [sflag:$0x1] =	stream.indirect.gather [hbm4b:s7+s8], $0x40, s24, s8, $0xb8;
	[tilespmem:$0x8400] =	vst v63  }
0x34: {  	s25 =	simm.s32 $0x380  }
0x35: {  	[tilespmem:s14], [sflag:$0x1] =	stream.indirect.gather [hbm4b:s10+s8], $0x40, s25, s8, $0xb8;
	[tilespmem:$0x8400] =	vst v63  }
0x36: {  	_ =	swait.ge [sflag:s15], $0x2000  }
0x37: {  	[sflag:s15] =	ssyncset.done $0x0  }
0x38: {  	[sflag:s15] =	ssyncadd.s32 $0xFFFFE000  }
0x39: {  	_ =	swait.ge [sflag:s15], $0x2000  }
0x3a: {  	[sflag:s15] =	ssyncset.done $0x0  }
0x3b: {  	[sflag:s15] =	ssyncadd.s32 $0xFFFFE000  }
0x3c: {  	_ =	swait.ge [sflag:s21], $0x2000  }
0x3d: {  	[sflag:s21] =	ssyncset.done $0x0  }
0x3e: {  	[sflag:s21] =	ssyncadd.s32 $0xFFFFE000  }
0x3f: {  	_ =	swait.ge [sflag:s21], $0x2000  }
0x40: {  	[sflag:s21] =	ssyncset.done $0x0  }
0x41: {  	s26 =	sadd.s32 $0x4400, s29;
	[sflag:s21] =	ssyncadd.s32 $0xFFFFE000  }
0x42: {  	[hbm4b:s26+s17] =	stream.strided.scatter [tilespmem:s9], [sflag:$0x2], $0x2000, s8, s17, $0x38;
	[tilespmem:$0x8400] =	vst v63  }
0x43: {  	s28 =	sadd.s32 $0x8, s26  }
0x44: {  	[hbm4b:s28+s17] =	stream.strided.scatter [tilespmem:s11], [sflag:$0x2], $0x2000, s8, s17, $0x38;
	[tilespmem:$0x8400] =	vst v63  }
0x45: {  	_ =	swait.ge [sflag:s15], $0x2000  }
0x46: {  	[sflag:s15] =	ssyncset.done $0x0  }
0x47: {  	[sflag:s15] =	ssyncadd.s32 $0xFFFFE000  }
0x48: {  	_ =	swait.ge [sflag:s15], $0x2000  }
0x49: {  	[sflag:s15] =	ssyncset.done $0x0  }
0x4a: {  	[sflag:s15] =	ssyncadd.s32 $0xFFFFE000  }
0x4b: {  	_ =	swait.ge [sflag:s21], $0x2000  }
0x4c: {  	[sflag:s21] =	ssyncset.done $0x0  }
0x4d: {  	s31 =	ssub.s32 $0x2, s30;
	[sflag:s21] =	ssyncadd.s32 $0xFFFFE000  }
0x4e: {  	s1 =	sshrl.u32 s31, $0x1;
	_ =	swait.ge [sflag:s21], $0x2000  }
0x4f: {  	s1 =	ssub.s32 s31, s1;
	[sflag:s21] =	ssyncset.done $0x0  }
0x50: {  	s1 =	smax.u32 s1, $0x1;
	s29 =	sadd.s32 $0x4C00, s29;
	[sflag:s21] =	ssyncadd.s32 $0xFFFFE000  }
0x51: {  	[hbm4b:s29+s17] =	stream.strided.scatter [tilespmem:s12], [sflag:$0x2], $0x2000, s8, s17, $0x38;
	[tilespmem:$0x8400] =	vst v63  }
0x52: {  	p0 =	sne.s32 s1, $0x1;
	s30 =	sadd.s32 $0x8, s29  }
0x53: {  	[hbm4b:s30+s17] =	stream.strided.scatter [tilespmem:s14], [sflag:$0x2], $0x2000, s8, s17, $0x38;
	[tilespmem:$0x8400] =	vst v63  }
.Ltmp0:
0x54: {  	_ =	swait.ge [sflag:s21], $0x2000;
	(pc) =	sbr.rel @!p0 .LBB2_2-.Ltmp0, $4  }
0x55: {  	[sflag:s21] =	ssyncset.done $0x0  }
0x56: {  	[sflag:s21] =	ssyncadd.s32 $0xFFFFE000  }
0x57: {  	_ =	swait.ge [sflag:s21], $0x2000  }
0x58: {  	s31 =	sadd.s32 $0xFFFFFFFF, s1;
	[sflag:s21] =	ssyncset.done $0x0  }
.LBB2_1:
0x59: {  	p0 =	sne.s32 s31, $0x1;
	s31 =	sadd.s32 $0xFFFFFFFF, s31;
	[sflag:s21] =	ssyncadd.s32 $0xFFFFE000  }
0x5a: {  	[tilespmem:s2], [sflag:$0x3] =	stream.linear.gather [hbm4b:s3+s2], $0x200, $0x38;
	[tilespmem:$0x8400] =	vst v63  }
0x5b: {  	_ =	swait.ge [sflag:s4], $0x200  }
0x5c: {  	[sflag:s4] =	ssyncset.done $0x0  }
0x5d: {  	[sflag:s4] =	ssyncadd.s32 $0xFFFFFE00  }
0x5e: {  	[tilespmem:s6], [sflag:$0x3] =	stream.linear.gather [hbm4b:s5+s2], $0x200, $0x38;
	[tilespmem:$0x8400] =	vst v63  }
0x5f: {  	_ =	swait.ge [sflag:s4], $0x200  }
0x60: {  	[sflag:s4] =	ssyncset.done $0x0  }
0x61: {  	[sflag:s4] =	ssyncadd.s32 $0xFFFFFE00  }
0x62: {  	[tilespmem:s9], [sflag:$0x1] =	stream.indirect.gather [hbm4b:s7+s8], $0x40, s2, s8, $0xb8;
	[tilespmem:$0x8400] =	vst v63  }
0x63: {  	_ = 	snop  }
0x64: {  	[tilespmem:s11], [sflag:$0x1] =	stream.indirect.gather [hbm4b:s10+s8], $0x40, s6, s8, $0xb8;
	[tilespmem:$0x8400] =	vst v63  }
0x65: {  	_ = 	snop  }
0x66: {  	[tilespmem:s12], [sflag:$0x1] =	stream.indirect.gather [hbm4b:s7+s8], $0x40, s8, s8, $0xb8;
	[tilespmem:$0x8400] =	vst v63  }
0x67: {  	_ = 	snop  }
0x68: {  	[tilespmem:s14], [sflag:$0x1] =	stream.indirect.gather [hbm4b:s10+s8], $0x40, s13, s8, $0xb8;
	[tilespmem:$0x8400] =	vst v63  }
0x69: {  	_ =	swait.ge [sflag:s15], $0x2000  }
0x6a: {  	[sflag:s15] =	ssyncset.done $0x0  }
0x6b: {  	[sflag:s15] =	ssyncadd.s32 $0xFFFFE000  }
0x6c: {  	_ =	swait.ge [sflag:s15], $0x2000  }
0x6d: {  	[sflag:s15] =	ssyncset.done $0x0  }
0x6e: {  	[sflag:s15] =	ssyncadd.s32 $0xFFFFE000  }
0x6f: {  	[hbm4b:s16+s17] =	stream.strided.scatter [tilespmem:s9], [sflag:$0x2], $0x2000, s8, s17, $0x38;
	[tilespmem:$0x8400] =	vst v63  }
0x70: {  	_ = 	snop  }
0x71: {  	[hbm4b:s18+s17] =	stream.strided.scatter [tilespmem:s11], [sflag:$0x2], $0x2000, s8, s17, $0x38;
	[tilespmem:$0x8400] =	vst v63  }
0x72: {  	_ = 	snop  }
0x73: {  	[tilespmem:s9], [sflag:$0x1] =	stream.indirect.gather [hbm4b:s7+s8], $0x40, s19, s8, $0xb8;
	[tilespmem:$0x8400] =	vst v63  }
0x74: {  	_ = 	snop  }
0x75: {  	[tilespmem:s11], [sflag:$0x1] =	stream.indirect.gather [hbm4b:s10+s8], $0x40, s20, s8, $0xb8;
	[tilespmem:$0x8400] =	vst v63  }
0x76: {  	_ =	swait.ge [sflag:s15], $0x2000  }
0x77: {  	[sflag:s15] =	ssyncset.done $0x0  }
0x78: {  	[sflag:s15] =	ssyncadd.s32 $0xFFFFE000  }
0x79: {  	_ =	swait.ge [sflag:s15], $0x2000  }
0x7a: {  	[sflag:s15] =	ssyncset.done $0x0  }
0x7b: {  	[sflag:s15] =	ssyncadd.s32 $0xFFFFE000  }
0x7c: {  	_ =	swait.ge [sflag:s21], $0x2000  }
0x7d: {  	[sflag:s21] =	ssyncset.done $0x0  }
0x7e: {  	[sflag:s21] =	ssyncadd.s32 $0xFFFFE000  }
0x7f: {  	_ =	swait.ge [sflag:s21], $0x2000  }
0x80: {  	[sflag:s21] =	ssyncset.done $0x0  }
0x81: {  	[sflag:s21] =	ssyncadd.s32 $0xFFFFE000  }
0x82: {  	[hbm4b:s22+s17] =	stream.strided.scatter [tilespmem:s12], [sflag:$0x2], $0x2000, s8, s17, $0x38;
	[tilespmem:$0x8400] =	vst v63  }
0x83: {  	_ = 	snop  }
0x84: {  	[hbm4b:s23+s17] =	stream.strided.scatter [tilespmem:s14], [sflag:$0x2], $0x2000, s8, s17, $0x38;
	[tilespmem:$0x8400] =	vst v63  }
0x85: {  	_ = 	snop  }
0x86: {  	[tilespmem:s12], [sflag:$0x1] =	stream.indirect.gather [hbm4b:s7+s8], $0x40, s24, s8, $0xb8;
	[tilespmem:$0x8400] =	vst v63  }
0x87: {  	_ = 	snop  }
0x88: {  	[tilespmem:s14], [sflag:$0x1] =	stream.indirect.gather [hbm4b:s10+s8], $0x40, s25, s8, $0xb8;
	[tilespmem:$0x8400] =	vst v63  }
0x89: {  	_ =	swait.ge [sflag:s15], $0x2000  }
0x8a: {  	[sflag:s15] =	ssyncset.done $0x0  }
0x8b: {  	[sflag:s15] =	ssyncadd.s32 $0xFFFFE000  }
0x8c: {  	_ =	swait.ge [sflag:s15], $0x2000  }
0x8d: {  	[sflag:s15] =	ssyncset.done $0x0  }
0x8e: {  	[sflag:s15] =	ssyncadd.s32 $0xFFFFE000  }
0x8f: {  	_ =	swait.ge [sflag:s21], $0x2000  }
0x90: {  	[sflag:s21] =	ssyncset.done $0x0  }
0x91: {  	[sflag:s21] =	ssyncadd.s32 $0xFFFFE000  }
0x92: {  	_ =	swait.ge [sflag:s21], $0x2000  }
0x93: {  	[sflag:s21] =	ssyncset.done $0x0  }
0x94: {  	[sflag:s21] =	ssyncadd.s32 $0xFFFFE000  }
0x95: {  	[hbm4b:s26+s17] =	stream.strided.scatter [tilespmem:s9], [sflag:$0x2], $0x2000, s8, s17, $0x38;
	[tilespmem:$0x8400] =	vst v63  }
0x96: {  	_ = 	snop  }
0x97: {  	[hbm4b:s28+s17] =	stream.strided.scatter [tilespmem:s11], [sflag:$0x2], $0x2000, s8, s17, $0x38;
	[tilespmem:$0x8400] =	vst v63  }
0x98: {  	_ =	swait.ge [sflag:s15], $0x2000  }
0x99: {  	[sflag:s15] =	ssyncset.done $0x0  }
0x9a: {  	[sflag:s15] =	ssyncadd.s32 $0xFFFFE000  }
0x9b: {  	_ =	swait.ge [sflag:s15], $0x2000  }
0x9c: {  	[sflag:s15] =	ssyncset.done $0x0  }
0x9d: {  	[sflag:s15] =	ssyncadd.s32 $0xFFFFE000  }
0x9e: {  	_ =	swait.ge [sflag:s21], $0x2000  }
0x9f: {  	[sflag:s21] =	ssyncset.done $0x0  }
0xa0: {  	[sflag:s21] =	ssyncadd.s32 $0xFFFFE000  }
0xa1: {  	_ =	swait.ge [sflag:s21], $0x2000  }
0xa2: {  	[sflag:s21] =	ssyncset.done $0x0  }
0xa3: {  	[sflag:s21] =	ssyncadd.s32 $0xFFFFE000  }
0xa4: {  	[hbm4b:s29+s17] =	stream.strided.scatter [tilespmem:s12], [sflag:$0x2], $0x2000, s8, s17, $0x38;
	[tilespmem:$0x8400] =	vst v63  }
0xa5: {  	_ = 	snop  }
0xa6: {  	[hbm4b:s30+s17] =	stream.strided.scatter [tilespmem:s14], [sflag:$0x2], $0x2000, s8, s17, $0x38;
	[tilespmem:$0x8400] =	vst v63  }
.Ltmp1:
0xa7: {  	_ =	swait.ge [sflag:s21], $0x2000;
	(pc) =	sbr.rel @p0 .LBB2_1-.Ltmp1, $4  }
0xa8: {  	[sflag:s21] =	ssyncset.done $0x0  }
0xa9: {  	[sflag:s21] =	ssyncadd.s32 $0xFFFFE000  }
0xaa: {  	_ =	swait.ge [sflag:s21], $0x2000  }
0xab: {  	[sflag:s21] =	ssyncset.done $0x0  }
.LBB2_2:
0xac: {  	[sflag:s21] =	ssyncadd.s32 $0xFFFFE000  }
0xad: {  	_ =	sfence.sel $0x180000  }
0xae: {  	[bflag:$0x0] =	sbarrier.arrive $0xFFFF  }
0xaf: {  	_ =	strace $0x90000047  }
0xb0: {  	[bflag:$0x2] =	sbarrier.arrive $0xFFFF  }
0xb1: {  	p0 =	sne.s32 s0, $0x0;
	s0 =	rddreg [dreg:$0x3]  }
0xb2: {  	s0 =	sadd.s32 @!p0 $0x100000, s0  }
0xb3: {  	[sflag:s0] =	ssyncadd.tile.s32 @!p0 $0x1;
	_ =	shalt  }
.Lfunc_end2:
_tile_overlayer_lowered:
.L_overlay_start_2:
0xb4: {  	(tag) =	ssettag $0x2  }
0xb5: {  	s0 =	rddreg [dreg:$0x0];
	s2 =	stileid.u32  }
0xb6: {  	s1 =	rddreg [dreg:$0x1];
	p0 =	sne.s32 s2, $0x0  }
0xb7: {  	s3 =	rddreg [dreg:$0x2];
	[bflag:$0x3] =	sbarrier.arrive $0xFFFF;
	s2 =	simm.s32 @!p0 $0x1C03  }
0xb8: {  	[timem:s3], [sflag:s2] =	dma.local @!p0 [hbm:s0], s1  }
0xb9: {  	s0 =	simm.s32 @!p0 $0x3  }
0xba: {  	_ =	swait.ge @!p0 [sflag:s0], s1  }
0xbb: {  	s1 =	ssub.s32 @!p0 $0x0, s1;
	[sflag:s0] =	ssyncset.done @!p0 $0x0  }
0xbc: {  	[sflag:s0] =	ssyncadd.s32 @!p0 s1  }
0xbd: {  	[bflag:$0x3] =	sbarrier.arrive $0xFFFF  }
0xbe: {  	_ =	shalt  }

// kernel: news_encoder_sc_gather_title.3.cloned.1.call-start
scs
__scs_entry_jumppad:
0x0: {  	(pc) =	sbr.rel $0x88, $3  }
0x1: {  	(tag) =	ssettag $0x0;
	lr =	simm.s32 $0x1  }
0x2: {  	[smem:$0x3F99] =	sst lr;
	_ =	strace $0xD0000000  }
0x3: {  	_ = 	snop  }
0x4: {  	_ = 	snop  }
0x5: {  	_ = 	snop  }
0x6: {  	_ = 	snop  }
0x7: {  	_ = 	snop  }
__scs_overlays_trampoline_lowered:
0x8: {  	[smem:$0x3FA8] =	sst s0  }
0x9: {  	[smem:$0x3FA9] =	sst s1  }
0xa: {  	[smem:$0x3FAA] =	sst s2  }
0xb: {  	[smem:$0x3FAB] =	sst s3  }
0xc: {  	[smem:$0x3FAC] =	sst s4  }
0xd: {  	[smem:$0x3FAD] =	sst s5  }
0xe: {  	[smem:$0x3FAE] =	sst s6  }
0xf: {  	[smem:$0x3FAF] =	sst s7  }
0x10: {  	[smem:$0x3FB0] =	sst s8  }
0x11: {  	[smem:$0x3FB1] =	sst s9;
	s0 =	simm.s32 @!p0 $0x0  }
0x12: {  	s1 =	sld [smem:$0x3F97];
	s0 =	simm.s32 @p0 $0x1  }
0x13: {  	[smem:$0x3FB2] =	sst s0;
	s0 =	simm.s32 @!p1 $0x0  }
0x14: {  	s2 =	sld [smem:$0x3F96];
	s0 =	simm.s32 @p1 $0x1  }
0x15: {  	[smem:$0x3FB3] =	sst s0;
	s0 =	simm.s32 @!p2 $0x0  }
0x16: {  	s3 =	sld [smem:$0x3FDB];
	s0 =	simm.s32 @p2 $0x1  }
0x17: {  	s4 =	simm.s32 $0x1BF5;
	[smem:$0x3FB5] =	sst s0  }
0x18: {  	s0 =	sld [smem:$0x3F98];
	_ =	swait.ge [sflag:s4], $0x0  }
0x19: {  	s7 =	sld [smem:$0x3F99]  }
0x1a: {  	s8 =	sadd.s32 $0xFFFFE003, lr  }
0x1b: {  	s9 =	sadd.s32 $0xFFFFFEF7, lr;
	s5 =	simm.s32 $0xFFFFFFFF;
	p2 =	slt.u32 s8, $0xFFFFF086  }
0x1c: {  	p1 =	slt.u32 s9, $0xF7A;
	s5 =	simm.s32 @!p2 $0x0  }
0x1d: {  	s5 =	simm.s32 @p1 $0x1;
	p0 =	seq.s32 s7, s2  }
0x1e: {  	s7 =	smul.u32 @!p0 $0xF7A, s2;
	p2 =	seq.s32 @!p0 s5, $0x0  }
0x1f: {  	s9 =	smul.u32 $0xF7A, s1;
	s8 =	simm.s32 @!p0 $0x1BF5;
	p2 =	por !p2, p0  }
0x20: {  	[sflag:s8] =	ssyncset.s32 @!p0 $0xFFFFF086;
	s6 =	sadd.s32 @!p0 s3, s7;
	s7 =	simm.s32 @!p0 $0x108  }
0x21: {  	s3 =	sadd.s32 s3, s9;
	s6 =	sadd.s32 @!p0 $0x88, s6;
	s7 =	simm.s32 @p2 $0x1082  }
0x22: {  	[simem:s7], [sflag:s8] =	dma.local @!p0 [hbm:s6], $0xF7A  }
0x23: {  	s9 =	sor.u32 $0xD0000000, s2;
	s6 =	simm.s32 $0x108;
	_ =	swait.ge @!p0 [sflag:s8], $0x0  }
0x24: {  	s3 =	sadd.s32 $0x88, s3;
	s6 =	simm.s32 @!p1 $0x1082;
	[sflag:s4] =	ssyncset.s32 $0xFFFFF086  }
0x25: {  	[simem:s6], [sflag:s4] =	dma.local [hbm:s3], $0xF7A  }
0x26: {  	[smem:$0x3F99] =	sst s1;
	(tag) =	ssettag s2;
	_ =	strace s9  }
0x27: {  	s1 =	sld [smem:$0x3FA9]  }
0x28: {  	s2 =	sld [smem:$0x3FAA]  }
0x29: {  	s4 =	sld [smem:$0x3FAC]  }
0x2a: {  	p0 =	seq.s32 s5, $0x0;
	s5 =	sld [smem:$0x3FAD]  }
0x2b: {  	s6 =	sld [smem:$0x3FAE]  }
0x2c: {  	s7 =	sld [smem:$0x3FAF]  }
0x2d: {  	s3 =	simm.s32 $0x108;
	s8 =	sld [smem:$0x3FB0]  }
0x2e: {  	s3 =	simm.s32 @!p0 $0x1082;
	s9 =	sld [smem:$0x3FB1]  }
0x2f: {  	lr =	sadd.s32 s0, s3;
	s0 =	sld [smem:$0x3FA8]  }
0x30: {  	s3 =	sld [smem:$0x3FAB]  }
0x31: {  	[smem:$0x3FB4] =	sst s10  }
0x32: {  	s10 =	sld [smem:$0x3FB2];
	_ =	sdelay $0x3  }
0x33: {  	p0 =	seq.s32 s10, $0x1;
	s10 =	sld [smem:$0x3FB4];
	_ =	sdelay $0x3  }
0x34: {  	[smem:$0x3FB4] =	sst s10  }
0x35: {  	s10 =	sld [smem:$0x3FB3];
	_ =	sdelay $0x3  }
0x36: {  	p1 =	seq.s32 s10, $0x1;
	s10 =	sld [smem:$0x3FB4];
	_ =	sdelay $0x3  }
0x37: {  	[smem:$0x3FB4] =	sst s10  }
0x38: {  	s10 =	sld [smem:$0x3FB5]  }
0x39: {  	_ = 	snop;
	(pc) =	sbr.ind lr, $3  }
0x3a: {  	_ = 	snop  }
0x3b: {  	_ = 	snop  }
0x3c: {  	p2 =	seq.s32 s10, $0x1;
	s10 =	sld [smem:$0x3FB4]  }
0x3d: {  	_ =	shalt  }
0x3e: {  	_ =	shalt  }
0x3f: {  	_ =	shalt  }
0x40: {  	_ =	shalt  }
0x41: {  	_ =	shalt  }
0x42: {  	_ =	shalt  }
0x43: {  	_ =	shalt  }
0x44: {  	_ =	shalt  }
0x45: {  	_ =	shalt  }
0x46: {  	_ =	shalt  }
0x47: {  	_ =	shalt  }
0x48: {  	_ =	shalt  }
0x49: {  	_ =	shalt  }
0x4a: {  	_ =	shalt  }
0x4b: {  	_ =	shalt  }
0x4c: {  	_ =	shalt  }
0x4d: {  	_ =	shalt  }
0x4e: {  	_ =	shalt  }
0x4f: {  	_ =	shalt  }
0x50: {  	_ =	shalt  }
0x51: {  	_ =	shalt  }
0x52: {  	_ =	shalt  }
0x53: {  	_ =	shalt  }
0x54: {  	_ =	shalt  }
0x55: {  	_ =	shalt  }
0x56: {  	_ =	shalt  }
0x57: {  	_ =	shalt  }
0x58: {  	_ =	shalt  }
0x59: {  	_ =	shalt  }
0x5a: {  	_ =	shalt  }
0x5b: {  	_ =	shalt  }
0x5c: {  	_ =	shalt  }
0x5d: {  	_ =	shalt  }
0x5e: {  	_ =	shalt  }
0x5f: {  	_ =	shalt  }
0x60: {  	_ =	shalt  }
0x61: {  	_ =	shalt  }
0x62: {  	_ =	shalt  }
0x63: {  	_ =	shalt  }
0x64: {  	_ =	shalt  }
0x65: {  	_ =	shalt  }
0x66: {  	_ =	shalt  }
0x67: {  	_ =	shalt  }
0x68: {  	_ =	shalt  }
0x69: {  	_ =	shalt  }
0x6a: {  	_ =	shalt  }
0x6b: {  	_ =	shalt  }
0x6c: {  	_ =	shalt  }
0x6d: {  	_ =	shalt  }
0x6e: {  	_ =	shalt  }
0x6f: {  	_ =	shalt  }
0x70: {  	_ =	shalt  }
0x71: {  	_ =	shalt  }
0x72: {  	_ =	shalt  }
0x73: {  	_ =	shalt  }
0x74: {  	_ =	shalt  }
0x75: {  	_ =	shalt  }
0x76: {  	_ =	shalt  }
0x77: {  	_ =	shalt  }
0x78: {  	_ =	shalt  }
0x79: {  	_ =	shalt  }
0x7a: {  	_ =	shalt  }
0x7b: {  	_ =	shalt  }
0x7c: {  	_ =	shalt  }
0x7d: {  	_ =	shalt  }
0x7e: {  	_ =	shalt  }
0x7f: {  	_ =	shalt  }
0x80: {  	_ =	shalt  }
0x81: {  	_ =	shalt  }
0x82: {  	_ =	shalt  }
0x83: {  	_ =	shalt  }
0x84: {  	_ =	shalt  }
0x85: {  	_ =	shalt  }
0x86: {  	_ =	shalt  }
0x87: {  	_ =	shalt  }
.Lfunc_end0:
.L_simem_size_0:
called_computation.1_lowered:
.L_overlay_start_0:
0x88: {  	s2 =	sld [smem:$0x3FD9]  }
0x89: {  	s3 =	sld [smem:$0x3FFE];
	_ =	sdelay $0x1  }
0x8a: {  	s1 =	srdreg.scid  }
0x8b: {  	s0 =	sand.u32 $0x1, s1  }
0x8c: {  	s18 =	sshll.u32 s0, $0xA;
	s2 =	sadd.s32 s3, s2  }
0x8d: {  	s2 =	sadd.s32 s2, s18  }
0x8e: {  	[smem:$0x3FC0] =	sst s2  }
0x8f: {  	_ = 	snop  }
0x90: {  	s19 =	sld [smem:$0x3FC9]  }
0x91: {  	s4 =	sld [smem:$0x3FC6]  }
0x92: {  	s5 =	sld [smem:$0x3FD0];
	(tm) =	ssettm $0x1  }
0x93: {  	s20 =	sld [smem:$0x3FFB];
	_ =	sdelay $0x3  }
0x94: {  	_ =	strace s20  }
0x95: {  	s2 =	sld [smem:$0x3FFC];
	_ =	sdelay $0x3  }
0x96: {  	_ =	strace s2  }
0x97: {  	s2 =	sld [smem:$0x3FFD];
	_ =	sdelay $0x3  }
0x98: {  	_ =	strace s2  }
0x99: {  	_ =	strace $0x8FFFFFFF  }
0x9a: {  	s21 =	sld [smem:$0x3FDB];
	_ =	sdelay $0x1  }
0x9b: {  	s6 =	simm.s32 $_scs_section_size  }
0x9c: {  	s7 =	simm.s32 $_size__tile_overlayer_lowered;
	s8 =	simm.s32 $_tile_overlayer_lowered  }
0x9d: {  	s9 =	simm.s32 $0x1BFF;
	s22 =	sshll.u32 s8, $0x1;
	s6 =	sadd.s32 s6, s21  }
0x9e: {  	s23 =	simm.s32 $0x0;
	s7 =	sshll.u32 s7, $0x1;
	s8 =	sadd.s32 s22, s6  }
0x9f: {  	[timem:s23], [sflag:s9] =	dma.local [hbm:s8], s7  }
0xa0: {  	_ =	swait.ge [sflag:s9], s7  }
0xa1: {  	s7 =	ssub.s32 $0x0, s7;
	[sflag:s9] =	ssyncset.done $0x0  }
0xa2: {  	[sflag:s9] =	ssyncadd.s32 s7;
	_ =	sdelay $0x1  }
0xa3: {  	s24 =	simm.s32 $0x1B8B  }
0xa4: {  	_ =	swait.ge [sflag:s24], $0x1  }
0xa5: {  	[sflag:s24] =	ssyncset.done $0x0  }
0xa6: {  	[sflag:s24] =	ssyncadd.s32 $0xFFFFFFFF  }
0xa7: {  	s7 =	sld [smem:$0x0]  }
0xa8: {  	s8 =	sand.u32 $0xFFFFFFFE, s1  }
0xa9: {  	p0 =	sne.s32 s1, s8  }
0xaa: {  	s8 =	sshll.u32 @p0 s8, $0xE  }
0xab: {  	s8 =	sadd.s32 @p0 $0x11B8D, s8;
	s9 =	sshll.u32 @p0 s7, $0x11  }
0xac: {  	s8 =	sor.u32 @p0 s9, s8  }
0xad: {  	[sflag:s8] =	ssyncadd.remote.s32 @p0 $0x1;
	_ =	sdelay $0x1  }
0xae: {  	s8 =	simm.s32 @p0 $0x1B8D  }
0xaf: {  	_ =	swait.eq @p0 [sflag:s8], $0x1  }
0xb0: {  	[sflag:s8] =	ssyncadd.s32 @p0 $0xFFFFFFFF  }
0xb1: {  	s9 =	sshll.u32 @!p0 s1, $0xE  }
0xb2: {  	s9 =	sor.u32 @!p0 $0x4000, s9;
	s8 =	simm.s32 @!p0 $0x1B8D  }
0xb3: {  	s7 =	sshll.u32 @!p0 s7, $0x11;
	s9 =	sadd.s32 @!p0 $0x11B8D, s9;
	_ =	swait.eq @!p0 [sflag:s8], $0x1  }
0xb4: {  	s7 =	sor.u32 @!p0 s7, s9;
	[sflag:s8] =	ssyncadd.s32 @!p0 $0xFFFFFFFF  }
0xb5: {  	s25 =	simm.s32 $0x1B8E;
	[sflag:s7] =	ssyncadd.remote.s32 @!p0 $0x1  }
0xb6: {  	s26 =	simm.s32 $execute0_lowered;
	[smem:$0x3FD2] =	sst s25  }
0xb7: {  	s7 =	sshll.u32 s26, $0x1;
	_ =	strace $0x80000049;
	[dreg:$0x1] =	wrdreg $0xFFFFFFFF  }
0xb8: {  	s28 =	simm.s32 $_size_execute0_lowered;
	s6 =	sadd.s32 s6, s7;
	[dreg:$0x0] =	wrdreg $0x0  }
0xb9: {  	s7 =	sshll.u32 s28, $0x1;
	[dreg:$0x2] =	wrdreg s6  }
0xba: {  	[dreg:$0x3] =	wrdreg s7  }
0xbb: {  	[dreg:$0x4] =	wrdreg $0xC0  }
0xbc: {  	_ =	task [dreg:s23], $0x5FFFF  }
0xbd: {  	[dreg:$0x1] =	wrdreg $0xFFFFFFFF  }
0xbe: {  	[dreg:$0x0] =	wrdreg $0x60  }
0xbf: {  	[dreg:$0x2] =	wrdreg s19  }
0xc0: {  	[dreg:$0x3] =	wrdreg s4  }
0xc1: {  	[dreg:$0x4] =	wrdreg s5  }
0xc2: {  	[dreg:$0x5] =	wrdreg $0xA  }
0xc3: {  	_ =	task.clear_ibuf [dreg:s23], $0x6FFFF;
	_ =	strace $0x90000049  }
0xc4: {  	s29 =	simm.s32 $0xA;
	_ =	strace $0x8000004B  }
0xc5: {  	_ =	swait.ge [sflag:s29], $0x1  }
0xc6: {  	[sflag:s29] =	ssyncadd.s32 $0xFFFFFFFF  }
0xc7: {  	_ =	strace $0x9000004B  }
0xc8: {  	_ =	sfence  }
0xc9: {  	s30 =	sld [smem:$0x0];
	_ =	sdelay $0x2  }
0xca: {  	s31 =	sshll.u32 s1, $0xD;
	s1 =	sshrl.u32 s1, $0x2  }
0xcb: {  	s4 =	sand.u32 $0x4000, s31;
	s1 =	sadd.s32 s1, s30  }
0xcc: {  	s0 =	sor.u32 s4, s0;
	s1 =	sshll.u32 s1, $0x11  }
0xcd: {  	s0 =	sor.u32 s1, s0  }
0xce: {  	s0 =	sadd.s32 $0x8F2B, s0  }
0xcf: {  	[sflag:s0] =	ssyncadd.remote.s32 $0x1  }
0xd0: {  	_ =	sfence.sel $0xFFFF  }
0xd1: {  	[dreg:$0x0] =	wrdreg $0xFFFFFFFF;
	(pc) =	sbr.abs _section_cstart, $3  }
0xd2: {  	[dreg:$0x1] =	wrdreg $0xFFFFFFFF  }
0xd3: {  	_ =	task.clear_ibuf [dreg:s23], $0x2FFFF;
	_ =	strace $0x9FFFFFFF  }
0xd4: {  	(tm) =	ssettm $0x7FFFFFFF  }
0xd5: {  	_ =	shalt  }
tec
execute0_lowered:
.L_overlay_start_1:
0x0: {  	(tag) =	ssettag $0x1  }
0x1: {  	s4 =	rddreg [dreg:$0x0];
	s1 =	srdreg.scid  }
0x2: {  	s2 =	rddreg [dreg:$0x1];
	s0 =	stileid.u32;
	s16 =	sand.u32 $0x1, s1  }
0x3: {  	s10 =	rddreg [dreg:$0x2];
	s5 =	sshll.u32 s0, $0xA;
	s6 =	sshll.u32 s16, $0x9  }
0x4: {  	s3 =	simm.s32 $0x0;
	s1 =	rddreg [dreg:$0x3];
	s11 =	sor.u32 s6, s5  }
0x5: {  	[smem:$0x7FF] =	sst s3;
	s5 =	sshrl.u32 s11, $0x3  }
0x6: {  	_ =	strace $0x8000004A;
	s4 =	sadd.s32 s4, s5;
	s5 =	simm.s32 $0x3  }
0x7: {  	[tilespmem:s3], [sflag:$0x3] =	stream.linear.gather [hbm4b:s4+s3], $0x200, $0x38;
	[tilespmem:$0x8200] =	vst v63  }
0x8: {  	_ =	swait.ge [sflag:s5], $0x200  }
0x9: {  	[sflag:s5] =	ssyncset.done $0x0  }
0xa: {  	s7 =	simm.s32 $0x200;
	s6 =	simm.s32 $0x80;
	[sflag:s5] =	ssyncadd.s32 $0xFFFFFE00  }
0xb: {  	[tilespmem:s7], [sflag:$0x1] =	stream.indirect.gather [hbm4b:s2+s6], $0x80, s3, s6, $0xb8;
	[tilespmem:$0x8200] =	vst v63  }
0xc: {  	s8 =	simm.s32 $0x4200;
	s9 =	simm.s32 $0x1  }
0xd: {  	[tilespmem:s8], [sflag:$0x1] =	stream.indirect.gather [hbm4b:s2+s6], $0x80, s6, s6, $0xb8;
	[tilespmem:$0x8200] =	vst v63  }
0xe: {  	_ =	swait.ge [sflag:s9], $0x4000  }
0xf: {  	s11 =	sshll.u32 s11, $0x4;
	[sflag:s9] =	ssyncset.done $0x0  }
0x10: {  	s10 =	sadd.s32 s10, s11;
	[sflag:s9] =	ssyncadd.s32 $0xFFFFC000  }
0x11: {  	[hbm4b:s10+s3] =	stream.linear.scatter [tilespmem:s7], [sflag:$0x2], $0x4000, $0x38;
	[tilespmem:$0x8200] =	vst v63  }
0x12: {  	s11 =	simm.s32 $0x100  }
0x13: {  	[tilespmem:s7], [sflag:$0x1] =	stream.indirect.gather [hbm4b:s2+s6], $0x80, s11, s6, $0xb8;
	[tilespmem:$0x8200] =	vst v63  }
0x14: {  	_ =	swait.ge [sflag:s9], $0x4000  }
0x15: {  	[sflag:s9] =	ssyncset.done $0x0  }
0x16: {  	s12 =	simm.s32 $0x2;
	[sflag:s9] =	ssyncadd.s32 $0xFFFFC000  }
0x17: {  	_ =	swait.ge [sflag:s12], $0x4000  }
0x18: {  	[sflag:s12] =	ssyncset.done $0x0  }
0x19: {  	s13 =	sadd.s32 $0x800, s10;
	[sflag:s12] =	ssyncadd.s32 $0xFFFFC000  }
0x1a: {  	[hbm4b:s13+s3] =	stream.linear.scatter [tilespmem:s8], [sflag:$0x2], $0x4000, $0x38;
	[tilespmem:$0x8200] =	vst v63  }
0x1b: {  	s14 =	simm.s32 $0x180  }
0x1c: {  	[tilespmem:s8], [sflag:$0x1] =	stream.indirect.gather [hbm4b:s2+s6], $0x80, s14, s6, $0xb8;
	[tilespmem:$0x8200] =	vst v63  }
0x1d: {  	_ =	swait.ge [sflag:s9], $0x4000  }
0x1e: {  	[sflag:s9] =	ssyncset.done $0x0  }
0x1f: {  	[sflag:s9] =	ssyncadd.s32 $0xFFFFC000  }
0x20: {  	_ =	swait.ge [sflag:s12], $0x4000  }
0x21: {  	[sflag:s12] =	ssyncset.done $0x0  }
0x22: {  	s16 =	ssub.s32 $0x2, s16;
	s15 =	sadd.s32 $0x1000, s10;
	[sflag:s12] =	ssyncadd.s32 $0xFFFFC000  }
0x23: {  	[hbm4b:s15+s3] =	stream.linear.scatter [tilespmem:s7], [sflag:$0x2], $0x4000, $0x38;
	[tilespmem:$0x8200] =	vst v63  }
0x24: {  	s17 =	sshrl.u32 s16, $0x1;
	_ =	swait.ge [sflag:s9], $0x4000  }
0x25: {  	s17 =	ssub.s32 s16, s17;
	[sflag:s9] =	ssyncset.done $0x0  }
0x26: {  	s17 =	smax.u32 s17, $0x1;
	[sflag:s9] =	ssyncadd.s32 $0xFFFFC000  }
0x27: {  	p0 =	sne.s32 s17, $0x1;
	_ =	swait.ge [sflag:s12], $0x4000  }
.Ltmp0:
0x28: {  	[sflag:s12] =	ssyncset.done $0x0;
	(pc) =	sbr.rel @!p0 .LBB2_2-.Ltmp0, $4  }
0x29: {  	s16 =	sadd.s32 $0x1800, s10;
	[sflag:s12] =	ssyncadd.s32 $0xFFFFC000  }
0x2a: {  	[hbm4b:s16+s3] =	stream.linear.scatter [tilespmem:s8], [sflag:$0x2], $0x4000, $0x38;
	[tilespmem:$0x8200] =	vst v63  }
0x2b: {  	_ =	swait.ge [sflag:s12], $0x4000  }
0x2c: {  	s17 =	sadd.s32 $0xFFFFFFFF, s17;
	[sflag:s12] =	ssyncset.done $0x0  }
.LBB2_1:
0x2d: {  	p0 =	sne.s32 s17, $0x1;
	s17 =	sadd.s32 $0xFFFFFFFF, s17;
	[sflag:s12] =	ssyncadd.s32 $0xFFFFC000  }
0x2e: {  	[tilespmem:s3], [sflag:$0x3] =	stream.linear.gather [hbm4b:s4+s3], $0x200, $0x38;
	[tilespmem:$0x8200] =	vst v63  }
0x2f: {  	_ =	swait.ge [sflag:s5], $0x200  }
0x30: {  	[sflag:s5] =	ssyncset.done $0x0  }
0x31: {  	[sflag:s5] =	ssyncadd.s32 $0xFFFFFE00  }
0x32: {  	[tilespmem:s7], [sflag:$0x1] =	stream.indirect.gather [hbm4b:s2+s6], $0x80, s3, s6, $0xb8;
	[tilespmem:$0x8200] =	vst v63  }
0x33: {  	_ = 	snop  }
0x34: {  	[tilespmem:s8], [sflag:$0x1] =	stream.indirect.gather [hbm4b:s2+s6], $0x80, s6, s6, $0xb8;
	[tilespmem:$0x8200] =	vst v63  }
0x35: {  	_ =	swait.ge [sflag:s9], $0x4000  }
0x36: {  	[sflag:s9] =	ssyncset.done $0x0  }
0x37: {  	[sflag:s9] =	ssyncadd.s32 $0xFFFFC000  }
0x38: {  	[hbm4b:s10+s3] =	stream.linear.scatter [tilespmem:s7], [sflag:$0x2], $0x4000, $0x38;
	[tilespmem:$0x8200] =	vst v63  }
0x39: {  	_ = 	snop  }
0x3a: {  	[tilespmem:s7], [sflag:$0x1] =	stream.indirect.gather [hbm4b:s2+s6], $0x80, s11, s6, $0xb8;
	[tilespmem:$0x8200] =	vst v63  }
0x3b: {  	_ =	swait.ge [sflag:s9], $0x4000  }
0x3c: {  	[sflag:s9] =	ssyncset.done $0x0  }
0x3d: {  	[sflag:s9] =	ssyncadd.s32 $0xFFFFC000  }
0x3e: {  	_ =	swait.ge [sflag:s12], $0x4000  }
0x3f: {  	[sflag:s12] =	ssyncset.done $0x0  }
0x40: {  	[sflag:s12] =	ssyncadd.s32 $0xFFFFC000  }
0x41: {  	[hbm4b:s13+s3] =	stream.linear.scatter [tilespmem:s8], [sflag:$0x2], $0x4000, $0x38;
	[tilespmem:$0x8200] =	vst v63  }
0x42: {  	_ = 	snop  }
0x43: {  	[tilespmem:s8], [sflag:$0x1] =	stream.indirect.gather [hbm4b:s2+s6], $0x80, s14, s6, $0xb8;
	[tilespmem:$0x8200] =	vst v63  }
0x44: {  	_ =	swait.ge [sflag:s9], $0x4000  }
0x45: {  	[sflag:s9] =	ssyncset.done $0x0  }
0x46: {  	[sflag:s9] =	ssyncadd.s32 $0xFFFFC000  }
0x47: {  	_ =	swait.ge [sflag:s12], $0x4000  }
0x48: {  	[sflag:s12] =	ssyncset.done $0x0  }
0x49: {  	[sflag:s12] =	ssyncadd.s32 $0xFFFFC000  }
0x4a: {  	[hbm4b:s15+s3] =	stream.linear.scatter [tilespmem:s7], [sflag:$0x2], $0x4000, $0x38;
	[tilespmem:$0x8200] =	vst v63  }
0x4b: {  	_ =	swait.ge [sflag:s9], $0x4000  }
0x4c: {  	[sflag:s9] =	ssyncset.done $0x0  }
0x4d: {  	[sflag:s9] =	ssyncadd.s32 $0xFFFFC000  }
0x4e: {  	_ =	swait.ge [sflag:s12], $0x4000  }
.Ltmp1:
0x4f: {  	[sflag:s12] =	ssyncset.done $0x0;
	(pc) =	sbr.rel @p0 .LBB2_1-.Ltmp1, $4  }
0x50: {  	[sflag:s12] =	ssyncadd.s32 $0xFFFFC000  }
0x51: {  	[hbm4b:s16+s3] =	stream.linear.scatter [tilespmem:s8], [sflag:$0x2], $0x4000, $0x38;
	[tilespmem:$0x8200] =	vst v63  }
0x52: {  	_ =	swait.ge [sflag:s12], $0x4000  }
0x53: {  	[sflag:s12] =	ssyncset.done $0x0  }
.LBB2_2:
0x54: {  	[sflag:s12] =	ssyncadd.s32 $0xFFFFC000  }
0x55: {  	_ =	sfence.sel $0x180000  }
0x56: {  	[bflag:$0x0] =	sbarrier.arrive $0xFFFF  }
0x57: {  	p0 =	sne.s32 s0, $0x0;
	_ =	strace $0x9000004A  }
0x58: {  	s0 =	sadd.s32 @!p0 $0x100000, s1;
	[bflag:$0x2] =	sbarrier.arrive $0xFFFF  }
0x59: {  	[sflag:s0] =	ssyncadd.tile.s32 @!p0 $0x1;
	_ =	shalt  }
.Lfunc_end2:
_tile_overlayer_lowered:
.L_overlay_start_2:
0x5a: {  	(tag) =	ssettag $0x2  }
0x5b: {  	s0 =	rddreg [dreg:$0x0];
	s2 =	stileid.u32  }
0x5c: {  	s1 =	rddreg [dreg:$0x1];
	p0 =	sne.s32 s2, $0x0  }
0x5d: {  	s3 =	rddreg [dreg:$0x2];
	[bflag:$0x3] =	sbarrier.arrive $0xFFFF;
	s2 =	simm.s32 @!p0 $0x1C03  }
0x5e: {  	[timem:s3], [sflag:s2] =	dma.local @!p0 [hbm:s0], s1  }
0x5f: {  	s0 =	simm.s32 @!p0 $0x3  }
0x60: {  	_ =	swait.ge @!p0 [sflag:s0], s1  }
0x61: {  	s1 =	ssub.s32 @!p0 $0x0, s1;
	[sflag:s0] =	ssyncset.done @!p0 $0x0  }
0x62: {  	[sflag:s0] =	ssyncadd.s32 @!p0 s1  }
0x63: {  	[bflag:$0x3] =	sbarrier.arrive $0xFFFF  }
0x64: {  	_ =	shalt  }

</sc_bundles>
